<compile_context>
chip_gen: v7x
topology: tpu7x:2x2x1
jax: 0.10.2.dev20260603
libtpu: 0.0.44.dev20260713+nightly
codegen_flags: <defaults>
</compile_context>

<pallas_src>
import functools

import jax
import jax.numpy as jnp
from jax import lax
from jax.experimental import pallas as pl
from jax.experimental.pallas import tpu as pltpu
from jax.experimental.pallas import tpu_sc as plsc

N = 8192
M = 8192
P = 1024
NW = 32
PW = P // NW
RU = 4
LANES = 16

TR = 1024
GRID = (N - P) // TR
CC = 1024
NCC = M // CC



def _tc_kernel(a_ref, b_ref, s1_ref, cmin_ref, acc_ref):
    i = pl.program_id(0)

    a = a_ref[...]
    row_mins = []
    col_mins = []
    for c in range(NCC):
        dc = jnp.dot(a, b_ref[:, c * CC:(c + 1) * CC],
                     preferred_element_type=jnp.float32)
        row_mins.append(jnp.min(dc, axis=1))
        col_mins.append(jnp.min(dc, axis=0))
    row_min = row_mins[0]
    for rm in row_mins[1:]:
        row_min = jnp.minimum(row_min, rm)
    s1_part = jnp.sum(jnp.sqrt(jnp.maximum(row_min, 0.0)))
    col_min = jnp.concatenate(col_mins)[None, :]

    @pl.when(i == 0)
    def _init():
        acc_ref[...] = col_min
        s1_ref[0, 0] = s1_part

    @pl.when(i > 0)
    def _acc():
        acc_ref[...] = jnp.minimum(acc_ref[...], col_min)
        s1_ref[0, 0] = s1_ref[0, 0] + s1_part

    @pl.when(i == GRID - 1)
    def _finish():
        cmin_ref[...] = acc_ref[...]



def _sc_kernel(st_hbm, tgr_hbm, rmin_hbm, cmin_hbm,
               st_v, tgr_v, rmin_v, cmin_v):
    cid = lax.axis_index("c")
    sid = lax.axis_index("s")
    wid = sid * 2 + cid
    base = wid * PW

    pltpu.sync_copy(st_hbm, st_v)
    for comp in range(4):
        pltpu.sync_copy(tgr_hbm.at[comp, pl.ds(base, PW), :],
                        tgr_v.at[comp])

    big = jnp.full((LANES,), 3.0e38, jnp.float32)

    def col_init(jc, _):
        cmin_v[pl.ds(jc * LANES, LANES)] = big
        return 0

    lax.fori_loop(0, M // LANES, col_init, 0)

    def row_block(rb, _):
        r0 = rb * RU
        txs, tys, tzs, a2s, rmins = [], [], [], [], []
        for u in range(RU):
            txs.append(tgr_v[0, r0 + u, :])
            tys.append(tgr_v[1, r0 + u, :])
            tzs.append(tgr_v[2, r0 + u, :])
            a2s.append(tgr_v[3, r0 + u, :])
            rmins.append(big)

        def chunk(jc, carry):
            rm = list(carry)
            sl = pl.ds(jc * LANES, LANES)
            sx = st_v[0, sl]
            sy = st_v[1, sl]
            sz = st_v[2, sl]
            b2 = st_v[3, sl]
            cm = cmin_v[sl]
            for u in range(RU):
                d = ((txs[u] * sx + tys[u] * sy) + (tzs[u] * sz + b2)) \
                    + a2s[u]
                rm[u] = jnp.minimum(rm[u], d)
                cm = jnp.minimum(cm, d)
            cmin_v[sl] = cm
            return tuple(rm)

        rm = lax.fori_loop(0, M // LANES, chunk, tuple(rmins))
        for u in range(RU):
            rmin_v[r0 + u, :] = rm[u]
        return 0

    lax.fori_loop(0, PW // RU, row_block, 0)

    pltpu.sync_copy(rmin_v, rmin_hbm.at[pl.ds(base, PW), :])
    pltpu.sync_copy(cmin_v, cmin_hbm.at[wid])



def _merge_kernel(s1_ref, cmin_tc_ref, rmin_sc_ref, cmin_sc_ref, out_ref):
    rmin = jnp.maximum(jnp.min(rmin_sc_ref[...], axis=1), 0.0)
    s1 = s1_ref[0, 0] + jnp.sum(jnp.sqrt(rmin))
    cmin = jnp.minimum(cmin_tc_ref[...],
                       jnp.min(cmin_sc_ref[...], axis=0, keepdims=True))
    s2 = jnp.sum(jnp.sqrt(jnp.maximum(cmin, 0.0)))
    out_ref[0, 0] = (s1 / N + s2 / M) * 5.0


def _round_bf16(x):
    u = jax.lax.bitcast_convert_type(x, jnp.uint32)
    r = (u + jnp.uint32(0x7FFF) + ((u >> 16) & jnp.uint32(1))) \
        & jnp.uint32(0xFFFF0000)
    return jax.lax.bitcast_convert_type(r, jnp.float32)


def _hi_lo(x):
    xi = jax.lax.bitcast_convert_type(x, jnp.uint32)
    hi_f = jax.lax.bitcast_convert_type(xi & jnp.uint32(0xFFFF0000),
                                        jnp.float32)
    hi = hi_f.astype(jnp.bfloat16)
    lo = (x - hi_f).astype(jnp.bfloat16)
    return hi, lo


@jax.jit
def _chamfer(state_x, target):
    a2 = jnp.sum(target * target, axis=1)
    b2 = jnp.sum(state_x * state_x, axis=1)

    a2h, a2l = _hi_lo(a2)
    b2h, b2l = _hi_lo(b2)
    one = jnp.ones((N,), jnp.bfloat16)
    zero = jnp.zeros((N,), jnp.bfloat16)
    A = jnp.stack(
        [target[:, 0].astype(jnp.bfloat16),
         target[:, 1].astype(jnp.bfloat16),
         target[:, 2].astype(jnp.bfloat16),
         a2h, a2l, one, one, zero], axis=1)[P:]
    B = jnp.stack(
        [(-2.0 * state_x[:, 0]).astype(jnp.bfloat16),
         (-2.0 * state_x[:, 1]).astype(jnp.bfloat16),
         (-2.0 * state_x[:, 2]).astype(jnp.bfloat16),
         one, one, b2h, b2l, zero], axis=0)

    s1_tc, cmin_tc = pl.pallas_call(
        _tc_kernel,
        grid=(GRID,),
        in_specs=[
            pl.BlockSpec((TR, 8), lambda i: (i, 0)),
            pl.BlockSpec((8, M), lambda i: (0, 0)),
        ],
        out_specs=[
            pl.BlockSpec(memory_space=pltpu.SMEM),
            pl.BlockSpec((1, M), lambda i: (0, 0)),
        ],
        out_shape=[
            jax.ShapeDtypeStruct((1, 1), jnp.float32),
            jax.ShapeDtypeStruct((1, M), jnp.float32),
        ],
        scratch_shapes=[pltpu.VMEM((1, M), jnp.float32)],
    )(A, B)

    st4 = jnp.stack(
        [_round_bf16(-2.0 * state_x[:, 0]),
         _round_bf16(-2.0 * state_x[:, 1]),
         _round_bf16(-2.0 * state_x[:, 2]),
         b2], axis=0)
    tg4 = jnp.stack(
        [_round_bf16(target[:P, 0]),
         _round_bf16(target[:P, 1]),
         _round_bf16(target[:P, 2]),
         a2[:P]], axis=0)
    tgr = jnp.broadcast_to(tg4[:, :, None], (4, P, LANES))

    mesh = plsc.VectorSubcoreMesh(core_axis_name="c", subcore_axis_name="s")
    rmin_sc, cmin_sc = pl.kernel(
        _sc_kernel,
        mesh=mesh,
        out_type=[
            jax.ShapeDtypeStruct((P, LANES), jnp.float32),
            jax.ShapeDtypeStruct((NW, M), jnp.float32),
        ],
        scratch_types=[
            pltpu.VMEM((4, M), jnp.float32),
            pltpu.VMEM((4, PW, LANES), jnp.float32),
            pltpu.VMEM((PW, LANES), jnp.float32),
            pltpu.VMEM((M,), jnp.float32),
        ],
    )(st4, tgr)

    loss = pl.pallas_call(
        _merge_kernel,
        in_specs=[
            pl.BlockSpec(memory_space=pltpu.SMEM),
            pl.BlockSpec(memory_space=pltpu.VMEM),
            pl.BlockSpec(memory_space=pltpu.VMEM),
            pl.BlockSpec(memory_space=pltpu.VMEM),
        ],
        out_specs=pl.BlockSpec(memory_space=pltpu.SMEM),
        out_shape=jax.ShapeDtypeStruct((1, 1), jnp.float32),
    )(s1_tc, cmin_tc, rmin_sc, cmin_sc)
    return loss[0, 0]


def kernel(state_x, target):
    return _chamfer(state_x, target)

# --- scband reference (transcript-rebuilt; emitter-appended) ---
"""Pipeline reference for scband-chamfer-loss-72258529788766 (READ-ONLY COPY).

The authoritative reference and input builder live on the scoring server;
editing this copy changes nothing except your own understanding.
"""

import jax, jax.numpy as jnp
import numpy as np


def setup_inputs(seed: int = 0) -> dict:
    key = jax.random.key(seed)
    k1, k2 = jax.random.split(key)
    state_x = jax.random.normal(k1, (8192, 3), dtype=jnp.float32)
    target = jax.random.normal(k2, (8192, 3), dtype=jnp.float32)
    return {"state_x": state_x, "target": target}


def _pairwise_sqdist(a, b):
    # a: [N, 3], b: [M, 3] -> [N, M] squared euclidean distances
    a2 = jnp.sum(a * a, axis=1)[:, None]
    b2 = jnp.sum(b * b, axis=1)[None, :]
    d = a2 + b2 - 2.0 * (a @ b.T)
    return jnp.maximum(d, 0.0)


def reference(state_x, target):
    # chamfer_3DDist(target[1,N,3], state_x[1,N,3]) ->
    #   dist1: for each target point, min squared dist to state_x
    #   dist2: for each state_x point, min squared dist to target
    d = _pairwise_sqdist(target, state_x)  # [N_target, N_state]
    dist1 = jnp.min(d, axis=1)  # [N_target]
    dist2 = jnp.min(d, axis=0)  # [N_state]
    loss = (jnp.sqrt(dist1).mean() + jnp.sqrt(dist2).mean()) / 2.0
    return loss * 10.0

if __name__ == "__main__":
    import jax
    _d = setup_inputs()
    print(jax.jit(kernel)(*tuple(_d.values())))

</pallas_src>

<mosaic_0001>
#map = affine_map<(d0, d1) -> (0, 0)>
#map1 = affine_map<(d0, d1) -> (0, 0, 0)>
module attributes {stable_mosaic.version = 14 : i64} {
  func.func @_sc_kernel(%arg0: i32, %arg1: i32, %arg2: memref<4x8192xf32, #tpu.memory_space<hbm>>, %arg3: memref<4x1024x16xf32, #tpu.memory_space<hbm>>, %arg4: memref<1024x16xf32, #tpu.memory_space<hbm>>, %arg5: memref<32x8192xf32, #tpu.memory_space<hbm>>, %arg6: memref<4x8192xf32, #tpu.memory_space<vmem>>, %arg7: memref<4x32x16xf32, #tpu.memory_space<vmem>>, %arg8: memref<32x16xf32, #tpu.memory_space<vmem>>, %arg9: memref<8192xf32, #tpu.memory_space<vmem>>) attributes {dimension_semantics = [#tpu.dimension_semantics<core_parallel>, #tpu.dimension_semantics<subcore_parallel>], iteration_bounds = array<i64: 2, 16>, scalar_prefetch = 0 : i64, scratch_operands = 4 : i64, tpu.core_type = #tpu.core_type<sc_vector_subcore>, window_params = [{transform_indices = #map}, {transform_indices = #map1}, {transform_indices = #map}, {transform_indices = #map}]} {
    %mul3A = arith.constant 2 : i32
    %mul3A_0 = arith.muli %arg1, %mul3A : i32
    %add3A = arith.addi %mul3A_0, %arg0 : i32
    %mul3A_1 = arith.constant 32 : i32
    %mul3A_2 = arith.muli %add3A, %mul3A_1 : i32
    "tpu.region"() ({
      %run_scoped3A_24 = tpu.sem_alloc : memref<!tpu.dma_semaphore, #tpu.memory_space<semaphore_mem>>
      tpu.enqueue_dma source(%arg2 : memref<4x8192xf32, #tpu.memory_space<hbm>>) target(%arg6 : memref<4x8192xf32, #tpu.memory_space<vmem>>) target_semaphore(%run_scoped3A_24 : memref<!tpu.dma_semaphore, #tpu.memory_space<semaphore_mem>>)
      tpu.wait_dma2 semaphore(%run_scoped3A_24 : memref<!tpu.dma_semaphore, #tpu.memory_space<semaphore_mem>>) src(%arg2 : memref<4x8192xf32, #tpu.memory_space<hbm>>) dst(%arg6 : memref<4x8192xf32, #tpu.memory_space<vmem>>)
      tpu.yield
    }) : () -> ()
    %run_scoped3A = arith.constant 0 : i32
    %run_scoped3A_3 = arith.constant 0 : i32
    "tpu.region"() ({
      %run_scoped3A_24 = tpu.sem_alloc : memref<!tpu.dma_semaphore, #tpu.memory_space<semaphore_mem>>
      %dma_start3A = arith.constant 0 : i32
      %dma_start3A_25 = arith.constant 0 : i32
      %dma_start3A_26 = tpu.memref_slice %arg7[%run_scoped3A_3, %dma_start3A, %dma_start3A_25] : memref<4x32x16xf32, #tpu.memory_space<vmem>> -> memref<1x32x16xf32, #tpu.memory_space<vmem>>
      %dma_start3A_27 = tpu.memref_squeeze %dma_start3A_26 : memref<1x32x16xf32, #tpu.memory_space<vmem>> -> memref<32x16xf32, #tpu.memory_space<vmem>>
      %dma_start3A_28 = arith.constant 0 : i32
      %dma_start3A_29 = tpu.memref_slice %arg3[%run_scoped3A, %mul3A_2, %dma_start3A_28] : memref<4x1024x16xf32, #tpu.memory_space<hbm>> -> memref<1x32x16xf32, #tpu.memory_space<hbm>>
      %dma_start3A_30 = tpu.memref_squeeze %dma_start3A_29 : memref<1x32x16xf32, #tpu.memory_space<hbm>> -> memref<32x16xf32, #tpu.memory_space<hbm>>
      %dma_start3A_31 = arith.constant 0 : i32
      %dma_start3A_32 = arith.constant 0 : i32
      %dma_start3A_33 = tpu.memref_slice %arg7[%run_scoped3A_3, %dma_start3A_31, %dma_start3A_32] : memref<4x32x16xf32, #tpu.memory_space<vmem>> -> memref<1x32x16xf32, #tpu.memory_space<vmem>>
      %dma_start3A_34 = tpu.memref_squeeze %dma_start3A_33 : memref<1x32x16xf32, #tpu.memory_space<vmem>> -> memref<32x16xf32, #tpu.memory_space<vmem>>
      %dma_start3A_35 = arith.constant 0 : i32
      %dma_start3A_36 = tpu.memref_slice %arg3[%run_scoped3A, %mul3A_2, %dma_start3A_35] : memref<4x1024x16xf32, #tpu.memory_space<hbm>> -> memref<1x32x16xf32, #tpu.memory_space<hbm>>
      %dma_start3A_37 = tpu.memref_squeeze %dma_start3A_36 : memref<1x32x16xf32, #tpu.memory_space<hbm>> -> memref<32x16xf32, #tpu.memory_space<hbm>>
      tpu.enqueue_dma source(%dma_start3A_37 : memref<32x16xf32, #tpu.memory_space<hbm>>) target(%dma_start3A_34 : memref<32x16xf32, #tpu.memory_space<vmem>>) target_semaphore(%run_scoped3A_24 : memref<!tpu.dma_semaphore, #tpu.memory_space<semaphore_mem>>)
      %dma_wait3A = arith.constant 0 : i32
      %dma_wait3A_38 = arith.constant 0 : i32
      %dma_wait3A_39 = tpu.memref_slice %arg7[%run_scoped3A_3, %dma_wait3A, %dma_wait3A_38] : memref<4x32x16xf32, #tpu.memory_space<vmem>> -> memref<1x32x16xf32, #tpu.memory_space<vmem>>
      %dma_wait3A_40 = tpu.memref_squeeze %dma_wait3A_39 : memref<1x32x16xf32, #tpu.memory_space<vmem>> -> memref<32x16xf32, #tpu.memory_space<vmem>>
      %dma_wait3A_41 = arith.constant 0 : i32
      %dma_wait3A_42 = tpu.memref_slice %arg3[%run_scoped3A, %mul3A_2, %dma_wait3A_41] : memref<4x1024x16xf32, #tpu.memory_space<hbm>> -> memref<1x32x16xf32, #tpu.memory_space<hbm>>
      %dma_wait3A_43 = tpu.memref_squeeze %dma_wait3A_42 : memref<1x32x16xf32, #tpu.memory_space<hbm>> -> memref<32x16xf32, #tpu.memory_space<hbm>>
      %dma_wait3A_44 = arith.constant 0 : i32
      %dma_wait3A_45 = arith.constant 0 : i32
      %dma_wait3A_46 = tpu.memref_slice %arg7[%run_scoped3A_3, %dma_wait3A_44, %dma_wait3A_45] : memref<4x32x16xf32, #tpu.memory_space<vmem>> -> memref<1x32x16xf32, #tpu.memory_space<vmem>>
      %dma_wait3A_47 = tpu.memref_squeeze %dma_wait3A_46 : memref<1x32x16xf32, #tpu.memory_space<vmem>> -> memref<32x16xf32, #tpu.memory_space<vmem>>
      %dma_wait3A_48 = arith.constant 0 : i32
      %dma_wait3A_49 = tpu.memref_slice %arg3[%run_scoped3A, %mul3A_2, %dma_wait3A_48] : memref<4x1024x16xf32, #tpu.memory_space<hbm>> -> memref<1x32x16xf32, #tpu.memory_space<hbm>>
      %dma_wait3A_50 = tpu.memref_squeeze %dma_wait3A_49 : memref<1x32x16xf32, #tpu.memory_space<hbm>> -> memref<32x16xf32, #tpu.memory_space<hbm>>
      tpu.wait_dma2 semaphore(%run_scoped3A_24 : memref<!tpu.dma_semaphore, #tpu.memory_space<semaphore_mem>>) src(%dma_wait3A_50 : memref<32x16xf32, #tpu.memory_space<hbm>>) dst(%dma_wait3A_47 : memref<32x16xf32, #tpu.memory_space<vmem>>)
      tpu.yield
    }) : () -> ()
    %run_scoped3A_4 = arith.constant 1 : i32
    %run_scoped3A_5 = arith.constant 1 : i32
    "tpu.region"() ({
      %run_scoped3A_24 = tpu.sem_alloc : memref<!tpu.dma_semaphore, #tpu.memory_space<semaphore_mem>>
      %dma_start3A = arith.constant 0 : i32
      %dma_start3A_25 = arith.constant 0 : i32
      %dma_start3A_26 = tpu.memref_slice %arg7[%run_scoped3A_5, %dma_start3A, %dma_start3A_25] : memref<4x32x16xf32, #tpu.memory_space<vmem>> -> memref<1x32x16xf32, #tpu.memory_space<vmem>>
      %dma_start3A_27 = tpu.memref_squeeze %dma_start3A_26 : memref<1x32x16xf32, #tpu.memory_space<vmem>> -> memref<32x16xf32, #tpu.memory_space<vmem>>
      %dma_start3A_28 = arith.constant 0 : i32
      %dma_start3A_29 = tpu.memref_slice %arg3[%run_scoped3A_4, %mul3A_2, %dma_start3A_28] : memref<4x1024x16xf32, #tpu.memory_space<hbm>> -> memref<1x32x16xf32, #tpu.memory_space<hbm>>
      %dma_start3A_30 = tpu.memref_squeeze %dma_start3A_29 : memref<1x32x16xf32, #tpu.memory_space<hbm>> -> memref<32x16xf32, #tpu.memory_space<hbm>>
      %dma_start3A_31 = arith.constant 0 : i32
      %dma_start3A_32 = arith.constant 0 : i32
      %dma_start3A_33 = tpu.memref_slice %arg7[%run_scoped3A_5, %dma_start3A_31, %dma_start3A_32] : memref<4x32x16xf32, #tpu.memory_space<vmem>> -> memref<1x32x16xf32, #tpu.memory_space<vmem>>
      %dma_start3A_34 = tpu.memref_squeeze %dma_start3A_33 : memref<1x32x16xf32, #tpu.memory_space<vmem>> -> memref<32x16xf32, #tpu.memory_space<vmem>>
      %dma_start3A_35 = arith.constant 0 : i32
      %dma_start3A_36 = tpu.memref_slice %arg3[%run_scoped3A_4, %mul3A_2, %dma_start3A_35] : memref<4x1024x16xf32, #tpu.memory_space<hbm>> -> memref<1x32x16xf32, #tpu.memory_space<hbm>>
      %dma_start3A_37 = tpu.memref_squeeze %dma_start3A_36 : memref<1x32x16xf32, #tpu.memory_space<hbm>> -> memref<32x16xf32, #tpu.memory_space<hbm>>
      tpu.enqueue_dma source(%dma_start3A_37 : memref<32x16xf32, #tpu.memory_space<hbm>>) target(%dma_start3A_34 : memref<32x16xf32, #tpu.memory_space<vmem>>) target_semaphore(%run_scoped3A_24 : memref<!tpu.dma_semaphore, #tpu.memory_space<semaphore_mem>>)
      %dma_wait3A = arith.constant 0 : i32
      %dma_wait3A_38 = arith.constant 0 : i32
      %dma_wait3A_39 = tpu.memref_slice %arg7[%run_scoped3A_5, %dma_wait3A, %dma_wait3A_38] : memref<4x32x16xf32, #tpu.memory_space<vmem>> -> memref<1x32x16xf32, #tpu.memory_space<vmem>>
      %dma_wait3A_40 = tpu.memref_squeeze %dma_wait3A_39 : memref<1x32x16xf32, #tpu.memory_space<vmem>> -> memref<32x16xf32, #tpu.memory_space<vmem>>
      %dma_wait3A_41 = arith.constant 0 : i32
      %dma_wait3A_42 = tpu.memref_slice %arg3[%run_scoped3A_4, %mul3A_2, %dma_wait3A_41] : memref<4x1024x16xf32, #tpu.memory_space<hbm>> -> memref<1x32x16xf32, #tpu.memory_space<hbm>>
      %dma_wait3A_43 = tpu.memref_squeeze %dma_wait3A_42 : memref<1x32x16xf32, #tpu.memory_space<hbm>> -> memref<32x16xf32, #tpu.memory_space<hbm>>
      %dma_wait3A_44 = arith.constant 0 : i32
      %dma_wait3A_45 = arith.constant 0 : i32
      %dma_wait3A_46 = tpu.memref_slice %arg7[%run_scoped3A_5, %dma_wait3A_44, %dma_wait3A_45] : memref<4x32x16xf32, #tpu.memory_space<vmem>> -> memref<1x32x16xf32, #tpu.memory_space<vmem>>
      %dma_wait3A_47 = tpu.memref_squeeze %dma_wait3A_46 : memref<1x32x16xf32, #tpu.memory_space<vmem>> -> memref<32x16xf32, #tpu.memory_space<vmem>>
      %dma_wait3A_48 = arith.constant 0 : i32
      %dma_wait3A_49 = tpu.memref_slice %arg3[%run_scoped3A_4, %mul3A_2, %dma_wait3A_48] : memref<4x1024x16xf32, #tpu.memory_space<hbm>> -> memref<1x32x16xf32, #tpu.memory_space<hbm>>
      %dma_wait3A_50 = tpu.memref_squeeze %dma_wait3A_49 : memref<1x32x16xf32, #tpu.memory_space<hbm>> -> memref<32x16xf32, #tpu.memory_space<hbm>>
      tpu.wait_dma2 semaphore(%run_scoped3A_24 : memref<!tpu.dma_semaphore, #tpu.memory_space<semaphore_mem>>) src(%dma_wait3A_50 : memref<32x16xf32, #tpu.memory_space<hbm>>) dst(%dma_wait3A_47 : memref<32x16xf32, #tpu.memory_space<vmem>>)
      tpu.yield
    }) : () -> ()
    %run_scoped3A_6 = arith.constant 2 : i32
    %run_scoped3A_7 = arith.constant 2 : i32
    "tpu.region"() ({
      %run_scoped3A_24 = tpu.sem_alloc : memref<!tpu.dma_semaphore, #tpu.memory_space<semaphore_mem>>
      %dma_start3A = arith.constant 0 : i32
      %dma_start3A_25 = arith.constant 0 : i32
      %dma_start3A_26 = tpu.memref_slice %arg7[%run_scoped3A_7, %dma_start3A, %dma_start3A_25] : memref<4x32x16xf32, #tpu.memory_space<vmem>> -> memref<1x32x16xf32, #tpu.memory_space<vmem>>
      %dma_start3A_27 = tpu.memref_squeeze %dma_start3A_26 : memref<1x32x16xf32, #tpu.memory_space<vmem>> -> memref<32x16xf32, #tpu.memory_space<vmem>>
      %dma_start3A_28 = arith.constant 0 : i32
      %dma_start3A_29 = tpu.memref_slice %arg3[%run_scoped3A_6, %mul3A_2, %dma_start3A_28] : memref<4x1024x16xf32, #tpu.memory_space<hbm>> -> memref<1x32x16xf32, #tpu.memory_space<hbm>>
      %dma_start3A_30 = tpu.memref_squeeze %dma_start3A_29 : memref<1x32x16xf32, #tpu.memory_space<hbm>> -> memref<32x16xf32, #tpu.memory_space<hbm>>
      %dma_start3A_31 = arith.constant 0 : i32
      %dma_start3A_32 = arith.constant 0 : i32
      %dma_start3A_33 = tpu.memref_slice %arg7[%run_scoped3A_7, %dma_start3A_31, %dma_start3A_32] : memref<4x32x16xf32, #tpu.memory_space<vmem>> -> memref<1x32x16xf32, #tpu.memory_space<vmem>>
      %dma_start3A_34 = tpu.memref_squeeze %dma_start3A_33 : memref<1x32x16xf32, #tpu.memory_space<vmem>> -> memref<32x16xf32, #tpu.memory_space<vmem>>
      %dma_start3A_35 = arith.constant 0 : i32
      %dma_start3A_36 = tpu.memref_slice %arg3[%run_scoped3A_6, %mul3A_2, %dma_start3A_35] : memref<4x1024x16xf32, #tpu.memory_space<hbm>> -> memref<1x32x16xf32, #tpu.memory_space<hbm>>
      %dma_start3A_37 = tpu.memref_squeeze %dma_start3A_36 : memref<1x32x16xf32, #tpu.memory_space<hbm>> -> memref<32x16xf32, #tpu.memory_space<hbm>>
      tpu.enqueue_dma source(%dma_start3A_37 : memref<32x16xf32, #tpu.memory_space<hbm>>) target(%dma_start3A_34 : memref<32x16xf32, #tpu.memory_space<vmem>>) target_semaphore(%run_scoped3A_24 : memref<!tpu.dma_semaphore, #tpu.memory_space<semaphore_mem>>)
      %dma_wait3A = arith.constant 0 : i32
      %dma_wait3A_38 = arith.constant 0 : i32
      %dma_wait3A_39 = tpu.memref_slice %arg7[%run_scoped3A_7, %dma_wait3A, %dma_wait3A_38] : memref<4x32x16xf32, #tpu.memory_space<vmem>> -> memref<1x32x16xf32, #tpu.memory_space<vmem>>
      %dma_wait3A_40 = tpu.memref_squeeze %dma_wait3A_39 : memref<1x32x16xf32, #tpu.memory_space<vmem>> -> memref<32x16xf32, #tpu.memory_space<vmem>>
      %dma_wait3A_41 = arith.constant 0 : i32
      %dma_wait3A_42 = tpu.memref_slice %arg3[%run_scoped3A_6, %mul3A_2, %dma_wait3A_41] : memref<4x1024x16xf32, #tpu.memory_space<hbm>> -> memref<1x32x16xf32, #tpu.memory_space<hbm>>
      %dma_wait3A_43 = tpu.memref_squeeze %dma_wait3A_42 : memref<1x32x16xf32, #tpu.memory_space<hbm>> -> memref<32x16xf32, #tpu.memory_space<hbm>>
      %dma_wait3A_44 = arith.constant 0 : i32
      %dma_wait3A_45 = arith.constant 0 : i32
      %dma_wait3A_46 = tpu.memref_slice %arg7[%run_scoped3A_7, %dma_wait3A_44, %dma_wait3A_45] : memref<4x32x16xf32, #tpu.memory_space<vmem>> -> memref<1x32x16xf32, #tpu.memory_space<vmem>>
      %dma_wait3A_47 = tpu.memref_squeeze %dma_wait3A_46 : memref<1x32x16xf32, #tpu.memory_space<vmem>> -> memref<32x16xf32, #tpu.memory_space<vmem>>
      %dma_wait3A_48 = arith.constant 0 : i32
      %dma_wait3A_49 = tpu.memref_slice %arg3[%run_scoped3A_6, %mul3A_2, %dma_wait3A_48] : memref<4x1024x16xf32, #tpu.memory_space<hbm>> -> memref<1x32x16xf32, #tpu.memory_space<hbm>>
      %dma_wait3A_50 = tpu.memref_squeeze %dma_wait3A_49 : memref<1x32x16xf32, #tpu.memory_space<hbm>> -> memref<32x16xf32, #tpu.memory_space<hbm>>
      tpu.wait_dma2 semaphore(%run_scoped3A_24 : memref<!tpu.dma_semaphore, #tpu.memory_space<semaphore_mem>>) src(%dma_wait3A_50 : memref<32x16xf32, #tpu.memory_space<hbm>>) dst(%dma_wait3A_47 : memref<32x16xf32, #tpu.memory_space<vmem>>)
      tpu.yield
    }) : () -> ()
    %run_scoped3A_8 = arith.constant 3 : i32
    %run_scoped3A_9 = arith.constant 3 : i32
    "tpu.region"() ({
      %run_scoped3A_24 = tpu.sem_alloc : memref<!tpu.dma_semaphore, #tpu.memory_space<semaphore_mem>>
      %dma_start3A = arith.constant 0 : i32
      %dma_start3A_25 = arith.constant 0 : i32
      %dma_start3A_26 = tpu.memref_slice %arg7[%run_scoped3A_9, %dma_start3A, %dma_start3A_25] : memref<4x32x16xf32, #tpu.memory_space<vmem>> -> memref<1x32x16xf32, #tpu.memory_space<vmem>>
      %dma_start3A_27 = tpu.memref_squeeze %dma_start3A_26 : memref<1x32x16xf32, #tpu.memory_space<vmem>> -> memref<32x16xf32, #tpu.memory_space<vmem>>
      %dma_start3A_28 = arith.constant 0 : i32
      %dma_start3A_29 = tpu.memref_slice %arg3[%run_scoped3A_8, %mul3A_2, %dma_start3A_28] : memref<4x1024x16xf32, #tpu.memory_space<hbm>> -> memref<1x32x16xf32, #tpu.memory_space<hbm>>
      %dma_start3A_30 = tpu.memref_squeeze %dma_start3A_29 : memref<1x32x16xf32, #tpu.memory_space<hbm>> -> memref<32x16xf32, #tpu.memory_space<hbm>>
      %dma_start3A_31 = arith.constant 0 : i32
      %dma_start3A_32 = arith.constant 0 : i32
      %dma_start3A_33 = tpu.memref_slice %arg7[%run_scoped3A_9, %dma_start3A_31, %dma_start3A_32] : memref<4x32x16xf32, #tpu.memory_space<vmem>> -> memref<1x32x16xf32, #tpu.memory_space<vmem>>
      %dma_start3A_34 = tpu.memref_squeeze %dma_start3A_33 : memref<1x32x16xf32, #tpu.memory_space<vmem>> -> memref<32x16xf32, #tpu.memory_space<vmem>>
      %dma_start3A_35 = arith.constant 0 : i32
      %dma_start3A_36 = tpu.memref_slice %arg3[%run_scoped3A_8, %mul3A_2, %dma_start3A_35] : memref<4x1024x16xf32, #tpu.memory_space<hbm>> -> memref<1x32x16xf32, #tpu.memory_space<hbm>>
      %dma_start3A_37 = tpu.memref_squeeze %dma_start3A_36 : memref<1x32x16xf32, #tpu.memory_space<hbm>> -> memref<32x16xf32, #tpu.memory_space<hbm>>
      tpu.enqueue_dma source(%dma_start3A_37 : memref<32x16xf32, #tpu.memory_space<hbm>>) target(%dma_start3A_34 : memref<32x16xf32, #tpu.memory_space<vmem>>) target_semaphore(%run_scoped3A_24 : memref<!tpu.dma_semaphore, #tpu.memory_space<semaphore_mem>>)
      %dma_wait3A = arith.constant 0 : i32
      %dma_wait3A_38 = arith.constant 0 : i32
      %dma_wait3A_39 = tpu.memref_slice %arg7[%run_scoped3A_9, %dma_wait3A, %dma_wait3A_38] : memref<4x32x16xf32, #tpu.memory_space<vmem>> -> memref<1x32x16xf32, #tpu.memory_space<vmem>>
      %dma_wait3A_40 = tpu.memref_squeeze %dma_wait3A_39 : memref<1x32x16xf32, #tpu.memory_space<vmem>> -> memref<32x16xf32, #tpu.memory_space<vmem>>
      %dma_wait3A_41 = arith.constant 0 : i32
      %dma_wait3A_42 = tpu.memref_slice %arg3[%run_scoped3A_8, %mul3A_2, %dma_wait3A_41] : memref<4x1024x16xf32, #tpu.memory_space<hbm>> -> memref<1x32x16xf32, #tpu.memory_space<hbm>>
      %dma_wait3A_43 = tpu.memref_squeeze %dma_wait3A_42 : memref<1x32x16xf32, #tpu.memory_space<hbm>> -> memref<32x16xf32, #tpu.memory_space<hbm>>
      %dma_wait3A_44 = arith.constant 0 : i32
      %dma_wait3A_45 = arith.constant 0 : i32
      %dma_wait3A_46 = tpu.memref_slice %arg7[%run_scoped3A_9, %dma_wait3A_44, %dma_wait3A_45] : memref<4x32x16xf32, #tpu.memory_space<vmem>> -> memref<1x32x16xf32, #tpu.memory_space<vmem>>
      %dma_wait3A_47 = tpu.memref_squeeze %dma_wait3A_46 : memref<1x32x16xf32, #tpu.memory_space<vmem>> -> memref<32x16xf32, #tpu.memory_space<vmem>>
      %dma_wait3A_48 = arith.constant 0 : i32
      %dma_wait3A_49 = tpu.memref_slice %arg3[%run_scoped3A_8, %mul3A_2, %dma_wait3A_48] : memref<4x1024x16xf32, #tpu.memory_space<hbm>> -> memref<1x32x16xf32, #tpu.memory_space<hbm>>
      %dma_wait3A_50 = tpu.memref_squeeze %dma_wait3A_49 : memref<1x32x16xf32, #tpu.memory_space<hbm>> -> memref<32x16xf32, #tpu.memory_space<hbm>>
      tpu.wait_dma2 semaphore(%run_scoped3A_24 : memref<!tpu.dma_semaphore, #tpu.memory_space<semaphore_mem>>) src(%dma_wait3A_50 : memref<32x16xf32, #tpu.memory_space<hbm>>) dst(%dma_wait3A_47 : memref<32x16xf32, #tpu.memory_space<vmem>>)
      tpu.yield
    }) : () -> ()
    %broadcast_in_dim3A = arith.constant 3.000000e+38 : f32
    %broadcast_in_dim3A_10 = vector.broadcast %broadcast_in_dim3A : f32 to vector<16xf32>
    %scan3A = arith.constant 0 : i32
    %scan3A_11 = arith.constant 0 : i32
    %scan3A_12 = arith.constant 512 : i32
    %scan3A_13 = arith.addi %scan3A_11, %scan3A_12 : i32
    %scan3A_14 = arith.constant 1 : i32
    %scan3A_15 = scf.for %scan3A_24 = %scan3A_11 to %scan3A_13 step %scan3A_14 iter_args(%scan3A_25 = %scan3A) -> (i32)  : i32 {
      %mul3A_26 = arith.constant 16 : i32
      %mul3A_27 = arith.muli %scan3A_24, %mul3A_26 : i32
      %swap3A = arith.index_cast %mul3A_27 : i32 to index
      %swap3A_28 = tpu.vector_load %arg9[%swap3A] {strides = array<i32>} : memref<8192xf32, #tpu.memory_space<vmem>>, vector<16xf32>,
      %swap3A_29 = vector.shape_cast %swap3A_28 : vector<16xf32> to vector<16xf32>
      %swap3A_30 = vector.shape_cast %broadcast_in_dim3A_10 : vector<16xf32> to vector<16xf32>
      tpu.vector_store %arg9[%swap3A], %swap3A_30 {strides = array<i32>} : memref<8192xf32, #tpu.memory_space<vmem>>, vector<16xf32>,
      %scan3A_31 = arith.constant 0 : i32
      scf.yield %scan3A_31 : i32
    }
    %scan3A_16 = arith.constant 512 : i32
    %scan3A_17 = arith.constant 0 : i32
    %scan3A_18 = arith.constant 0 : i32
    %scan3A_19 = arith.constant 8 : i32
    %scan3A_20 = arith.addi %scan3A_18, %scan3A_19 : i32
    %scan3A_21 = arith.constant 1 : i32
    %scan3A_22 = scf.for %scan3A_24 = %scan3A_18 to %scan3A_20 step %scan3A_21 iter_args(%scan3A_25 = %scan3A_17) -> (i32)  : i32 {
      %mul3A_26 = arith.constant 4 : i32
      %mul3A_27 = arith.muli %scan3A_24, %mul3A_26 : i32
      %add3A_28 = arith.constant 0 : i32
      %add3A_29 = arith.addi %mul3A_27, %add3A_28 : i32
      %get3A = arith.constant 0 : i32
      %get3A_30 = arith.index_cast %get3A : i32 to index
      %get3A_31 = arith.index_cast %add3A_29 : i32 to index
      %get3A_32 = arith.constant 0 : index
      %get3A_33 = tpu.vector_load %arg7[%get3A_30, %get3A_31, %get3A_32] {strides = array<i32>} : memref<4x32x16xf32, #tpu.memory_space<vmem>>, vector<1x1x16xf32>,
      %get3A_34 = vector.shape_cast %get3A_33 : vector<1x1x16xf32> to vector<16xf32>
      %add3A_35 = arith.constant 0 : i32
      %add3A_36 = arith.addi %mul3A_27, %add3A_35 : i32
      %get3A_37 = arith.constant 1 : i32
      %get3A_38 = arith.index_cast %get3A_37 : i32 to index
      %get3A_39 = arith.index_cast %add3A_36 : i32 to index
      %get3A_40 = arith.constant 0 : index
      %get3A_41 = tpu.vector_load %arg7[%get3A_38, %get3A_39, %get3A_40] {strides = array<i32>} : memref<4x32x16xf32, #tpu.memory_space<vmem>>, vector<1x1x16xf32>,
      %get3A_42 = vector.shape_cast %get3A_41 : vector<1x1x16xf32> to vector<16xf32>
      %add3A_43 = arith.constant 0 : i32
      %add3A_44 = arith.addi %mul3A_27, %add3A_43 : i32
      %get3A_45 = arith.constant 2 : i32
      %get3A_46 = arith.index_cast %get3A_45 : i32 to index
      %get3A_47 = arith.index_cast %add3A_44 : i32 to index
      %get3A_48 = arith.constant 0 : index
      %get3A_49 = tpu.vector_load %arg7[%get3A_46, %get3A_47, %get3A_48] {strides = array<i32>} : memref<4x32x16xf32, #tpu.memory_space<vmem>>, vector<1x1x16xf32>,
      %get3A_50 = vector.shape_cast %get3A_49 : vector<1x1x16xf32> to vector<16xf32>
      %add3A_51 = arith.constant 0 : i32
      %add3A_52 = arith.addi %mul3A_27, %add3A_51 : i32
      %get3A_53 = arith.constant 3 : i32
      %get3A_54 = arith.index_cast %get3A_53 : i32 to index
      %get3A_55 = arith.index_cast %add3A_52 : i32 to index
      %get3A_56 = arith.constant 0 : index
      %get3A_57 = tpu.vector_load %arg7[%get3A_54, %get3A_55, %get3A_56] {strides = array<i32>} : memref<4x32x16xf32, #tpu.memory_space<vmem>>, vector<1x1x16xf32>,
      %get3A_58 = vector.shape_cast %get3A_57 : vector<1x1x16xf32> to vector<16xf32>
      %add3A_59 = arith.constant 1 : i32
      %add3A_60 = arith.addi %mul3A_27, %add3A_59 : i32
      %get3A_61 = arith.constant 0 : i32
      %get3A_62 = arith.index_cast %get3A_61 : i32 to index
      %get3A_63 = arith.index_cast %add3A_60 : i32 to index
      %get3A_64 = arith.constant 0 : index
      %get3A_65 = tpu.vector_load %arg7[%get3A_62, %get3A_63, %get3A_64] {strides = array<i32>} : memref<4x32x16xf32, #tpu.memory_space<vmem>>, vector<1x1x16xf32>,
      %get3A_66 = vector.shape_cast %get3A_65 : vector<1x1x16xf32> to vector<16xf32>
      %add3A_67 = arith.constant 1 : i32
      %add3A_68 = arith.addi %mul3A_27, %add3A_67 : i32
      %get3A_69 = arith.constant 1 : i32
      %get3A_70 = arith.index_cast %get3A_69 : i32 to index
      %get3A_71 = arith.index_cast %add3A_68 : i32 to index
      %get3A_72 = arith.constant 0 : index
      %get3A_73 = tpu.vector_load %arg7[%get3A_70, %get3A_71, %get3A_72] {strides = array<i32>} : memref<4x32x16xf32, #tpu.memory_space<vmem>>, vector<1x1x16xf32>,
      %get3A_74 = vector.shape_cast %get3A_73 : vector<1x1x16xf32> to vector<16xf32>
      %add3A_75 = arith.constant 1 : i32
      %add3A_76 = arith.addi %mul3A_27, %add3A_75 : i32
      %get3A_77 = arith.constant 2 : i32
      %get3A_78 = arith.index_cast %get3A_77 : i32 to index
      %get3A_79 = arith.index_cast %add3A_76 : i32 to index
      %get3A_80 = arith.constant 0 : index
      %get3A_81 = tpu.vector_load %arg7[%get3A_78, %get3A_79, %get3A_80] {strides = array<i32>} : memref<4x32x16xf32, #tpu.memory_space<vmem>>, vector<1x1x16xf32>,
      %get3A_82 = vector.shape_cast %get3A_81 : vector<1x1x16xf32> to vector<16xf32>
      %add3A_83 = arith.constant 1 : i32
      %add3A_84 = arith.addi %mul3A_27, %add3A_83 : i32
      %get3A_85 = arith.constant 3 : i32
      %get3A_86 = arith.index_cast %get3A_85 : i32 to index
      %get3A_87 = arith.index_cast %add3A_84 : i32 to index
      %get3A_88 = arith.constant 0 : index
      %get3A_89 = tpu.vector_load %arg7[%get3A_86, %get3A_87, %get3A_88] {strides = array<i32>} : memref<4x32x16xf32, #tpu.memory_space<vmem>>, vector<1x1x16xf32>,
      %get3A_90 = vector.shape_cast %get3A_89 : vector<1x1x16xf32> to vector<16xf32>
      %add3A_91 = arith.constant 2 : i32
      %add3A_92 = arith.addi %mul3A_27, %add3A_91 : i32
      %get3A_93 = arith.constant 0 : i32
      %get3A_94 = arith.index_cast %get3A_93 : i32 to index
      %get3A_95 = arith.index_cast %add3A_92 : i32 to index
      %get3A_96 = arith.constant 0 : index
      %get3A_97 = tpu.vector_load %arg7[%get3A_94, %get3A_95, %get3A_96] {strides = array<i32>} : memref<4x32x16xf32, #tpu.memory_space<vmem>>, vector<1x1x16xf32>,
      %get3A_98 = vector.shape_cast %get3A_97 : vector<1x1x16xf32> to vector<16xf32>
      %add3A_99 = arith.constant 2 : i32
      %add3A_100 = arith.addi %mul3A_27, %add3A_99 : i32
      %get3A_101 = arith.constant 1 : i32
      %get3A_102 = arith.index_cast %get3A_101 : i32 to index
      %get3A_103 = arith.index_cast %add3A_100 : i32 to index
      %get3A_104 = arith.constant 0 : index
      %get3A_105 = tpu.vector_load %arg7[%get3A_102, %get3A_103, %get3A_104] {strides = array<i32>} : memref<4x32x16xf32, #tpu.memory_space<vmem>>, vector<1x1x16xf32>,
      %get3A_106 = vector.shape_cast %get3A_105 : vector<1x1x16xf32> to vector<16xf32>
      %add3A_107 = arith.constant 2 : i32
      %add3A_108 = arith.addi %mul3A_27, %add3A_107 : i32
      %get3A_109 = arith.constant 2 : i32
      %get3A_110 = arith.index_cast %get3A_109 : i32 to index
      %get3A_111 = arith.index_cast %add3A_108 : i32 to index
      %get3A_112 = arith.constant 0 : index
      %get3A_113 = tpu.vector_load %arg7[%get3A_110, %get3A_111, %get3A_112] {strides = array<i32>} : memref<4x32x16xf32, #tpu.memory_space<vmem>>, vector<1x1x16xf32>,
      %get3A_114 = vector.shape_cast %get3A_113 : vector<1x1x16xf32> to vector<16xf32>
      %add3A_115 = arith.constant 2 : i32
      %add3A_116 = arith.addi %mul3A_27, %add3A_115 : i32
      %get3A_117 = arith.constant 3 : i32
      %get3A_118 = arith.index_cast %get3A_117 : i32 to index
      %get3A_119 = arith.index_cast %add3A_116 : i32 to index
      %get3A_120 = arith.constant 0 : index
      %get3A_121 = tpu.vector_load %arg7[%get3A_118, %get3A_119, %get3A_120] {strides = array<i32>} : memref<4x32x16xf32, #tpu.memory_space<vmem>>, vector<1x1x16xf32>,
      %get3A_122 = vector.shape_cast %get3A_121 : vector<1x1x16xf32> to vector<16xf32>
      %add3A_123 = arith.constant 3 : i32
      %add3A_124 = arith.addi %mul3A_27, %add3A_123 : i32
      %get3A_125 = arith.constant 0 : i32
      %get3A_126 = arith.index_cast %get3A_125 : i32 to index
      %get3A_127 = arith.index_cast %add3A_124 : i32 to index
      %get3A_128 = arith.constant 0 : index
      %get3A_129 = tpu.vector_load %arg7[%get3A_126, %get3A_127, %get3A_128] {strides = array<i32>} : memref<4x32x16xf32, #tpu.memory_space<vmem>>, vector<1x1x16xf32>,
      %get3A_130 = vector.shape_cast %get3A_129 : vector<1x1x16xf32> to vector<16xf32>
      %add3A_131 = arith.constant 3 : i32
      %add3A_132 = arith.addi %mul3A_27, %add3A_131 : i32
      %get3A_133 = arith.constant 1 : i32
      %get3A_134 = arith.index_cast %get3A_133 : i32 to index
      %get3A_135 = arith.index_cast %add3A_132 : i32 to index
      %get3A_136 = arith.constant 0 : index
      %get3A_137 = tpu.vector_load %arg7[%get3A_134, %get3A_135, %get3A_136] {strides = array<i32>} : memref<4x32x16xf32, #tpu.memory_space<vmem>>, vector<1x1x16xf32>,
      %get3A_138 = vector.shape_cast %get3A_137 : vector<1x1x16xf32> to vector<16xf32>
      %add3A_139 = arith.constant 3 : i32
      %add3A_140 = arith.addi %mul3A_27, %add3A_139 : i32
      %get3A_141 = arith.constant 2 : i32
      %get3A_142 = arith.index_cast %get3A_141 : i32 to index
      %get3A_143 = arith.index_cast %add3A_140 : i32 to index
      %get3A_144 = arith.constant 0 : index
      %get3A_145 = tpu.vector_load %arg7[%get3A_142, %get3A_143, %get3A_144] {strides = array<i32>} : memref<4x32x16xf32, #tpu.memory_space<vmem>>, vector<1x1x16xf32>,
      %get3A_146 = vector.shape_cast %get3A_145 : vector<1x1x16xf32> to vector<16xf32>
      %add3A_147 = arith.constant 3 : i32
      %add3A_148 = arith.addi %mul3A_27, %add3A_147 : i32
      %get3A_149 = arith.constant 3 : i32
      %get3A_150 = arith.index_cast %get3A_149 : i32 to index
      %get3A_151 = arith.index_cast %add3A_148 : i32 to index
      %get3A_152 = arith.constant 0 : index
      %get3A_153 = tpu.vector_load %arg7[%get3A_150, %get3A_151, %get3A_152] {strides = array<i32>} : memref<4x32x16xf32, #tpu.memory_space<vmem>>, vector<1x1x16xf32>,
      %get3A_154 = vector.shape_cast %get3A_153 : vector<1x1x16xf32> to vector<16xf32>
      %scan3A_155 = arith.constant 0 : i32
      %scan3A_156 = arith.constant 512 : i32
      %scan3A_157 = arith.addi %scan3A_155, %scan3A_156 : i32
      %scan3A_158 = arith.constant 1 : i32
      %scan3A_159:4 = scf.for %scan3A_189 = %scan3A_155 to %scan3A_157 step %scan3A_158 iter_args(%scan3A_190 = %broadcast_in_dim3A_10, %scan3A_191 = %broadcast_in_dim3A_10, %scan3A_192 = %broadcast_in_dim3A_10, %scan3A_193 = %broadcast_in_dim3A_10) -> (vector<16xf32>, vector<16xf32>, vector<16xf32>, vector<16xf32>)  : i32 {
        %mul3A_194 = arith.constant 16 : i32
        %mul3A_195 = arith.muli %scan3A_189, %mul3A_194 : i32
        %get3A_196 = arith.constant 0 : i32
        %get3A_197 = arith.index_cast %get3A_196 : i32 to index
        %get3A_198 = arith.index_cast %mul3A_195 : i32 to index
        %get3A_199 = tpu.vector_load %arg6[%get3A_197, %get3A_198] {strides = array<i32>} : memref<4x8192xf32, #tpu.memory_space<vmem>>, vector<1x16xf32>,
        %get3A_200 = vector.shape_cast %get3A_199 : vector<1x16xf32> to vector<16xf32>
        %get3A_201 = arith.constant 1 : i32
        %get3A_202 = arith.index_cast %get3A_201 : i32 to index
        %get3A_203 = arith.index_cast %mul3A_195 : i32 to index
        %get3A_204 = tpu.vector_load %arg6[%get3A_202, %get3A_203] {strides = array<i32>} : memref<4x8192xf32, #tpu.memory_space<vmem>>, vector<1x16xf32>,
        %get3A_205 = vector.shape_cast %get3A_204 : vector<1x16xf32> to vector<16xf32>
        %get3A_206 = arith.constant 2 : i32
        %get3A_207 = arith.index_cast %get3A_206 : i32 to index
        %get3A_208 = arith.index_cast %mul3A_195 : i32 to index
        %get3A_209 = tpu.vector_load %arg6[%get3A_207, %get3A_208] {strides = array<i32>} : memref<4x8192xf32, #tpu.memory_space<vmem>>, vector<1x16xf32>,
        %get3A_210 = vector.shape_cast %get3A_209 : vector<1x16xf32> to vector<16xf32>
        %get3A_211 = arith.constant 3 : i32
        %get3A_212 = arith.index_cast %get3A_211 : i32 to index
        %get3A_213 = arith.index_cast %mul3A_195 : i32 to index
        %get3A_214 = tpu.vector_load %arg6[%get3A_212, %get3A_213] {strides = array<i32>} : memref<4x8192xf32, #tpu.memory_space<vmem>>, vector<1x16xf32>,
        %get3A_215 = vector.shape_cast %get3A_214 : vector<1x16xf32> to vector<16xf32>
        %get3A_216 = arith.index_cast %mul3A_195 : i32 to index
        %get3A_217 = tpu.vector_load %arg9[%get3A_216] {strides = array<i32>} : memref<8192xf32, #tpu.memory_space<vmem>>, vector<16xf32>,
        %get3A_218 = vector.shape_cast %get3A_217 : vector<16xf32> to vector<16xf32>
        %mul3A_219 = arith.mulf %get3A_34, %get3A_200 : vector<16xf32>
        %mul3A_220 = arith.mulf %get3A_42, %get3A_205 : vector<16xf32>
        %add3A_221 = arith.addf %mul3A_219, %mul3A_220 : vector<16xf32>
        %mul3A_222 = arith.mulf %get3A_50, %get3A_210 : vector<16xf32>
        %add3A_223 = arith.addf %mul3A_222, %get3A_215 : vector<16xf32>
        %add3A_224 = arith.addf %add3A_221, %add3A_223 : vector<16xf32>
        %add3A_225 = arith.addf %add3A_224, %get3A_58 : vector<16xf32>
        %min3A = arith.minimumf %scan3A_190, %add3A_225 : vector<16xf32>
        %min3A_226 = arith.minimumf %get3A_218, %add3A_225 : vector<16xf32>
        %mul3A_227 = arith.mulf %get3A_66, %get3A_200 : vector<16xf32>
        %mul3A_228 = arith.mulf %get3A_74, %get3A_205 : vector<16xf32>
        %add3A_229 = arith.addf %mul3A_227, %mul3A_228 : vector<16xf32>
        %mul3A_230 = arith.mulf %get3A_82, %get3A_210 : vector<16xf32>
        %add3A_231 = arith.addf %mul3A_230, %get3A_215 : vector<16xf32>
        %add3A_232 = arith.addf %add3A_229, %add3A_231 : vector<16xf32>
        %add3A_233 = arith.addf %add3A_232, %get3A_90 : vector<16xf32>
        %min3A_234 = arith.minimumf %scan3A_191, %add3A_233 : vector<16xf32>
        %min3A_235 = arith.minimumf %min3A_226, %add3A_233 : vector<16xf32>
        %mul3A_236 = arith.mulf %get3A_98, %get3A_200 : vector<16xf32>
        %mul3A_237 = arith.mulf %get3A_106, %get3A_205 : vector<16xf32>
        %add3A_238 = arith.addf %mul3A_236, %mul3A_237 : vector<16xf32>
        %mul3A_239 = arith.mulf %get3A_114, %get3A_210 : vector<16xf32>
        %add3A_240 = arith.addf %mul3A_239, %get3A_215 : vector<16xf32>
        %add3A_241 = arith.addf %add3A_238, %add3A_240 : vector<16xf32>
        %add3A_242 = arith.addf %add3A_241, %get3A_122 : vector<16xf32>
        %min3A_243 = arith.minimumf %scan3A_192, %add3A_242 : vector<16xf32>
        %min3A_244 = arith.minimumf %min3A_235, %add3A_242 : vector<16xf32>
        %mul3A_245 = arith.mulf %get3A_130, %get3A_200 : vector<16xf32>
        %mul3A_246 = arith.mulf %get3A_138, %get3A_205 : vector<16xf32>
        %add3A_247 = arith.addf %mul3A_245, %mul3A_246 : vector<16xf32>
        %mul3A_248 = arith.mulf %get3A_146, %get3A_210 : vector<16xf32>
        %add3A_249 = arith.addf %mul3A_248, %get3A_215 : vector<16xf32>
        %add3A_250 = arith.addf %add3A_247, %add3A_249 : vector<16xf32>
        %add3A_251 = arith.addf %add3A_250, %get3A_154 : vector<16xf32>
        %min3A_252 = arith.minimumf %scan3A_193, %add3A_251 : vector<16xf32>
        %min3A_253 = arith.minimumf %min3A_244, %add3A_251 : vector<16xf32>
        %swap3A_254 = arith.index_cast %mul3A_195 : i32 to index
        %swap3A_255 = tpu.vector_load %arg9[%swap3A_254] {strides = array<i32>} : memref<8192xf32, #tpu.memory_space<vmem>>, vector<16xf32>,
        %swap3A_256 = vector.shape_cast %swap3A_255 : vector<16xf32> to vector<16xf32>
        %swap3A_257 = vector.shape_cast %min3A_253 : vector<16xf32> to vector<16xf32>
        tpu.vector_store %arg9[%swap3A_254], %swap3A_257 {strides = array<i32>} : memref<8192xf32, #tpu.memory_space<vmem>>, vector<16xf32>,
        scf.yield %min3A, %min3A_234, %min3A_243, %min3A_252 : vector<16xf32>, vector<16xf32>, vector<16xf32>, vector<16xf32>
      }
      %scan3A_160 = arith.constant 512 : i32
      %add3A_161 = arith.constant 0 : i32
      %add3A_162 = arith.addi %mul3A_27, %add3A_161 : i32
      %swap3A = arith.index_cast %add3A_162 : i32 to index
      %swap3A_163 = arith.constant 0 : index
      %swap3A_164 = tpu.vector_load %arg8[%swap3A, %swap3A_163] {strides = array<i32>} : memref<32x16xf32, #tpu.memory_space<vmem>>, vector<1x16xf32>,
      %swap3A_165 = vector.shape_cast %swap3A_164 : vector<1x16xf32> to vector<16xf32>
      %swap3A_166 = vector.shape_cast %scan3A_159#0 : vector<16xf32> to vector<1x16xf32>
      tpu.vector_store %arg8[%swap3A, %swap3A_163], %swap3A_166 {strides = array<i32>} : memref<32x16xf32, #tpu.memory_space<vmem>>, vector<1x16xf32>,
      %add3A_167 = arith.constant 1 : i32
      %add3A_168 = arith.addi %mul3A_27, %add3A_167 : i32
      %swap3A_169 = arith.index_cast %add3A_168 : i32 to index
      %swap3A_170 = arith.constant 0 : index
      %swap3A_171 = tpu.vector_load %arg8[%swap3A_169, %swap3A_170] {strides = array<i32>} : memref<32x16xf32, #tpu.memory_space<vmem>>, vector<1x16xf32>,
      %swap3A_172 = vector.shape_cast %swap3A_171 : vector<1x16xf32> to vector<16xf32>
      %swap3A_173 = vector.shape_cast %scan3A_159#1 : vector<16xf32> to vector<1x16xf32>
      tpu.vector_store %arg8[%swap3A_169, %swap3A_170], %swap3A_173 {strides = array<i32>} : memref<32x16xf32, #tpu.memory_space<vmem>>, vector<1x16xf32>,
      %add3A_174 = arith.constant 2 : i32
      %add3A_175 = arith.addi %mul3A_27, %add3A_174 : i32
      %swap3A_176 = arith.index_cast %add3A_175 : i32 to index
      %swap3A_177 = arith.constant 0 : index
      %swap3A_178 = tpu.vector_load %arg8[%swap3A_176, %swap3A_177] {strides = array<i32>} : memref<32x16xf32, #tpu.memory_space<vmem>>, vector<1x16xf32>,
      %swap3A_179 = vector.shape_cast %swap3A_178 : vector<1x16xf32> to vector<16xf32>
      %swap3A_180 = vector.shape_cast %scan3A_159#2 : vector<16xf32> to vector<1x16xf32>
      tpu.vector_store %arg8[%swap3A_176, %swap3A_177], %swap3A_180 {strides = array<i32>} : memref<32x16xf32, #tpu.memory_space<vmem>>, vector<1x16xf32>,
      %add3A_181 = arith.constant 3 : i32
      %add3A_182 = arith.addi %mul3A_27, %add3A_181 : i32
      %swap3A_183 = arith.index_cast %add3A_182 : i32 to index
      %swap3A_184 = arith.constant 0 : index
      %swap3A_185 = tpu.vector_load %arg8[%swap3A_183, %swap3A_184] {strides = array<i32>} : memref<32x16xf32, #tpu.memory_space<vmem>>, vector<1x16xf32>,
      %swap3A_186 = vector.shape_cast %swap3A_185 : vector<1x16xf32> to vector<16xf32>
      %swap3A_187 = vector.shape_cast %scan3A_159#3 : vector<16xf32> to vector<1x16xf32>
      tpu.vector_store %arg8[%swap3A_183, %swap3A_184], %swap3A_187 {strides = array<i32>} : memref<32x16xf32, #tpu.memory_space<vmem>>, vector<1x16xf32>,
      %scan3A_188 = arith.constant 0 : i32
      scf.yield %scan3A_188 : i32
    }
    %scan3A_23 = arith.constant 8 : i32
    "tpu.region"() ({
      %run_scoped3A_24 = tpu.sem_alloc : memref<!tpu.dma_semaphore, #tpu.memory_space<semaphore_mem>>
      %dma_start3A = arith.constant 0 : i32
      %dma_start3A_25 = tpu.memref_slice %arg4[%mul3A_2, %dma_start3A] : memref<1024x16xf32, #tpu.memory_space<hbm>> -> memref<32x16xf32, #tpu.memory_space<hbm>>
      %dma_start3A_26 = arith.constant 0 : i32
      %dma_start3A_27 = tpu.memref_slice %arg4[%mul3A_2, %dma_start3A_26] : memref<1024x16xf32, #tpu.memory_space<hbm>> -> memref<32x16xf32, #tpu.memory_space<hbm>>
      tpu.enqueue_dma source(%arg8 : memref<32x16xf32, #tpu.memory_space<vmem>>) target(%dma_start3A_27 : memref<32x16xf32, #tpu.memory_space<hbm>>) target_semaphore(%run_scoped3A_24 : memref<!tpu.dma_semaphore, #tpu.memory_space<semaphore_mem>>)
      %dma_wait3A = arith.constant 0 : i32
      %dma_wait3A_28 = tpu.memref_slice %arg4[%mul3A_2, %dma_wait3A] : memref<1024x16xf32, #tpu.memory_space<hbm>> -> memref<32x16xf32, #tpu.memory_space<hbm>>
      %dma_wait3A_29 = arith.constant 0 : i32
      %dma_wait3A_30 = tpu.memref_slice %arg4[%mul3A_2, %dma_wait3A_29] : memref<1024x16xf32, #tpu.memory_space<hbm>> -> memref<32x16xf32, #tpu.memory_space<hbm>>
      tpu.wait_dma2 semaphore(%run_scoped3A_24 : memref<!tpu.dma_semaphore, #tpu.memory_space<semaphore_mem>>) src(%arg8 : memref<32x16xf32, #tpu.memory_space<vmem>>) dst(%dma_wait3A_30 : memref<32x16xf32, #tpu.memory_space<hbm>>)
      tpu.yield
    }) : () -> ()
    "tpu.region"() ({
      %run_scoped3A_24 = tpu.sem_alloc : memref<!tpu.dma_semaphore, #tpu.memory_space<semaphore_mem>>
      %dma_start3A = arith.constant 0 : i32
      %dma_start3A_25 = tpu.memref_slice %arg5[%add3A, %dma_start3A] : memref<32x8192xf32, #tpu.memory_space<hbm>> -> memref<1x8192xf32, #tpu.memory_space<hbm>>
      %dma_start3A_26 = tpu.memref_squeeze %dma_start3A_25 : memref<1x8192xf32, #tpu.memory_space<hbm>> -> memref<8192xf32, #tpu.memory_space<hbm>>
      %dma_start3A_27 = arith.constant 0 : i32
      %dma_start3A_28 = tpu.memref_slice %arg5[%add3A, %dma_start3A_27] : memref<32x8192xf32, #tpu.memory_space<hbm>> -> memref<1x8192xf32, #tpu.memory_space<hbm>>
      %dma_start3A_29 = tpu.memref_squeeze %dma_start3A_28 : memref<1x8192xf32, #tpu.memory_space<hbm>> -> memref<8192xf32, #tpu.memory_space<hbm>>
      tpu.enqueue_dma source(%arg9 : memref<8192xf32, #tpu.memory_space<vmem>>) target(%dma_start3A_29 : memref<8192xf32, #tpu.memory_space<hbm>>) target_semaphore(%run_scoped3A_24 : memref<!tpu.dma_semaphore, #tpu.memory_space<semaphore_mem>>)
      %dma_wait3A = arith.constant 0 : i32
      %dma_wait3A_30 = tpu.memref_slice %arg5[%add3A, %dma_wait3A] : memref<32x8192xf32, #tpu.memory_space<hbm>> -> memref<1x8192xf32, #tpu.memory_space<hbm>>
      %dma_wait3A_31 = tpu.memref_squeeze %dma_wait3A_30 : memref<1x8192xf32, #tpu.memory_space<hbm>> -> memref<8192xf32, #tpu.memory_space<hbm>>
      %dma_wait3A_32 = arith.constant 0 : i32
      %dma_wait3A_33 = tpu.memref_slice %arg5[%add3A, %dma_wait3A_32] : memref<32x8192xf32, #tpu.memory_space<hbm>> -> memref<1x8192xf32, #tpu.memory_space<hbm>>
      %dma_wait3A_34 = tpu.memref_squeeze %dma_wait3A_33 : memref<1x8192xf32, #tpu.memory_space<hbm>> -> memref<8192xf32, #tpu.memory_space<hbm>>
      tpu.wait_dma2 semaphore(%run_scoped3A_24 : memref<!tpu.dma_semaphore, #tpu.memory_space<semaphore_mem>>) src(%arg9 : memref<8192xf32, #tpu.memory_space<vmem>>) dst(%dma_wait3A_34 : memref<8192xf32, #tpu.memory_space<hbm>>)
      tpu.yield
    }) : () -> ()
    return
  }
}

module attributes {stable_mosaic.version = 14 : i64} {
  func.func @_tc_kernel(%arg0: i32, %arg1: memref<1024x8xbf16, #tpu.memory_space<vmem>>, %arg2: memref<8x8192xbf16, #tpu.memory_space<vmem>>, %arg3: memref<1x1xf32, #tpu.memory_space<smem>>, %arg4: memref<1x8192xf32, #tpu.memory_space<vmem>>, %arg5: memref<1x8192xf32, #tpu.memory_space<vmem>>) attributes {dimension_semantics = [#tpu.dimension_semantics<arbitrary>], iteration_bounds = array<i64: 7>, scalar_prefetch = 0 : i64, scratch_operands = 1 : i64, tpu.core_type = #tpu.core_type<tc>, window_params = [{transform_indices = @transform_0, window_bounds = array<i64: 1024, 8>}, {pipeline_mode = #tpu.pipeline_mode<synchronous>, transform_indices = @transform_1, window_bounds = array<i64: 8, 8192>}, {transform_indices = @transform_2, window_bounds = array<i64: 1, 1>}, {pipeline_mode = #tpu.pipeline_mode<synchronous>, transform_indices = @transform_3, window_bounds = array<i64: 1, 8192>}]} {
    %get3A = arith.constant 0 : index
    %get3A_0 = arith.constant 0 : index
    %get3A_1 = vector.load %arg1[%get3A, %get3A_0] : memref<1024x8xbf16, #tpu.memory_space<vmem>>, vector<1024x8xbf16>
    %get3A_2 = arith.constant 0 : index
    %get3A_3 = arith.constant 0 : index
    %get3A_4 = vector.load %arg2[%get3A_2, %get3A_3] : memref<8x8192xbf16, #tpu.memory_space<vmem>>, vector<8x1024xbf16>
    %dot_general3A = arith.constant dense<0.000000e+00> : vector<1024x1024xf32>
    %dot_general3A_5 = tpu.matmul %get3A_1, %get3A_4, %dot_general3A {dimension_numbers = #tpu.dot_dimension_numbers<[1], [0], [0], [1], [0, 0, 1, 1], [], []>, transpose_lhs_hint = false} : vector<1024x8xbf16>, vector<8x1024xbf16>, vector<1024x1024xf32> -> vector<1024x1024xf32>
    %reduce_min3A = arith.constant dense<0x7F800000> : vector<1024xf32>
    %reduce_min3A_6 = vector.multi_reduction <minimumf>, %dot_general3A_5, %reduce_min3A [1] : vector<1024x1024xf32> to vector<1024xf32>
    %reduce_min3A_7 = arith.constant dense<0x7F800000> : vector<1024xf32>
    %reduce_min3A_8 = vector.multi_reduction <minimumf>, %dot_general3A_5, %reduce_min3A_7 [0] : vector<1024x1024xf32> to vector<1024xf32>
    %get3A_9 = arith.constant 0 : index
    %get3A_10 = arith.constant 1024 : index
    %get3A_11 = vector.load %arg2[%get3A_9, %get3A_10] : memref<8x8192xbf16, #tpu.memory_space<vmem>>, vector<8x1024xbf16>
    %dot_general3A_12 = arith.constant dense<0.000000e+00> : vector<1024x1024xf32>
    %dot_general3A_13 = tpu.matmul %get3A_1, %get3A_11, %dot_general3A_12 {dimension_numbers = #tpu.dot_dimension_numbers<[1], [0], [0], [1], [0, 0, 1, 1], [], []>, transpose_lhs_hint = false} : vector<1024x8xbf16>, vector<8x1024xbf16>, vector<1024x1024xf32> -> vector<1024x1024xf32>
    %reduce_min3A_14 = arith.constant dense<0x7F800000> : vector<1024xf32>
    %reduce_min3A_15 = vector.multi_reduction <minimumf>, %dot_general3A_13, %reduce_min3A_14 [1] : vector<1024x1024xf32> to vector<1024xf32>
    %reduce_min3A_16 = arith.constant dense<0x7F800000> : vector<1024xf32>
    %reduce_min3A_17 = vector.multi_reduction <minimumf>, %dot_general3A_13, %reduce_min3A_16 [0] : vector<1024x1024xf32> to vector<1024xf32>
    %get3A_18 = arith.constant 0 : index
    %get3A_19 = arith.constant 2048 : index
    %get3A_20 = vector.load %arg2[%get3A_18, %get3A_19] : memref<8x8192xbf16, #tpu.memory_space<vmem>>, vector<8x1024xbf16>
    %dot_general3A_21 = arith.constant dense<0.000000e+00> : vector<1024x1024xf32>
    %dot_general3A_22 = tpu.matmul %get3A_1, %get3A_20, %dot_general3A_21 {dimension_numbers = #tpu.dot_dimension_numbers<[1], [0], [0], [1], [0, 0, 1, 1], [], []>, transpose_lhs_hint = false} : vector<1024x8xbf16>, vector<8x1024xbf16>, vector<1024x1024xf32> -> vector<1024x1024xf32>
    %reduce_min3A_23 = arith.constant dense<0x7F800000> : vector<1024xf32>
    %reduce_min3A_24 = vector.multi_reduction <minimumf>, %dot_general3A_22, %reduce_min3A_23 [1] : vector<1024x1024xf32> to vector<1024xf32>
    %reduce_min3A_25 = arith.constant dense<0x7F800000> : vector<1024xf32>
    %reduce_min3A_26 = vector.multi_reduction <minimumf>, %dot_general3A_22, %reduce_min3A_25 [0] : vector<1024x1024xf32> to vector<1024xf32>
    %get3A_27 = arith.constant 0 : index
    %get3A_28 = arith.constant 3072 : index
    %get3A_29 = vector.load %arg2[%get3A_27, %get3A_28] : memref<8x8192xbf16, #tpu.memory_space<vmem>>, vector<8x1024xbf16>
    %dot_general3A_30 = arith.constant dense<0.000000e+00> : vector<1024x1024xf32>
    %dot_general3A_31 = tpu.matmul %get3A_1, %get3A_29, %dot_general3A_30 {dimension_numbers = #tpu.dot_dimension_numbers<[1], [0], [0], [1], [0, 0, 1, 1], [], []>, transpose_lhs_hint = false} : vector<1024x8xbf16>, vector<8x1024xbf16>, vector<1024x1024xf32> -> vector<1024x1024xf32>
    %reduce_min3A_32 = arith.constant dense<0x7F800000> : vector<1024xf32>
    %reduce_min3A_33 = vector.multi_reduction <minimumf>, %dot_general3A_31, %reduce_min3A_32 [1] : vector<1024x1024xf32> to vector<1024xf32>
    %reduce_min3A_34 = arith.constant dense<0x7F800000> : vector<1024xf32>
    %reduce_min3A_35 = vector.multi_reduction <minimumf>, %dot_general3A_31, %reduce_min3A_34 [0] : vector<1024x1024xf32> to vector<1024xf32>
    %get3A_36 = arith.constant 0 : index
    %get3A_37 = arith.constant 4096 : index
    %get3A_38 = vector.load %arg2[%get3A_36, %get3A_37] : memref<8x8192xbf16, #tpu.memory_space<vmem>>, vector<8x1024xbf16>
    %dot_general3A_39 = arith.constant dense<0.000000e+00> : vector<1024x1024xf32>
    %dot_general3A_40 = tpu.matmul %get3A_1, %get3A_38, %dot_general3A_39 {dimension_numbers = #tpu.dot_dimension_numbers<[1], [0], [0], [1], [0, 0, 1, 1], [], []>, transpose_lhs_hint = false} : vector<1024x8xbf16>, vector<8x1024xbf16>, vector<1024x1024xf32> -> vector<1024x1024xf32>
    %reduce_min3A_41 = arith.constant dense<0x7F800000> : vector<1024xf32>
    %reduce_min3A_42 = vector.multi_reduction <minimumf>, %dot_general3A_40, %reduce_min3A_41 [1] : vector<1024x1024xf32> to vector<1024xf32>
    %reduce_min3A_43 = arith.constant dense<0x7F800000> : vector<1024xf32>
    %reduce_min3A_44 = vector.multi_reduction <minimumf>, %dot_general3A_40, %reduce_min3A_43 [0] : vector<1024x1024xf32> to vector<1024xf32>
    %get3A_45 = arith.constant 0 : index
    %get3A_46 = arith.constant 5120 : index
    %get3A_47 = vector.load %arg2[%get3A_45, %get3A_46] : memref<8x8192xbf16, #tpu.memory_space<vmem>>, vector<8x1024xbf16>
    %dot_general3A_48 = arith.constant dense<0.000000e+00> : vector<1024x1024xf32>
    %dot_general3A_49 = tpu.matmul %get3A_1, %get3A_47, %dot_general3A_48 {dimension_numbers = #tpu.dot_dimension_numbers<[1], [0], [0], [1], [0, 0, 1, 1], [], []>, transpose_lhs_hint = false} : vector<1024x8xbf16>, vector<8x1024xbf16>, vector<1024x1024xf32> -> vector<1024x1024xf32>
    %reduce_min3A_50 = arith.constant dense<0x7F800000> : vector<1024xf32>
    %reduce_min3A_51 = vector.multi_reduction <minimumf>, %dot_general3A_49, %reduce_min3A_50 [1] : vector<1024x1024xf32> to vector<1024xf32>
    %reduce_min3A_52 = arith.constant dense<0x7F800000> : vector<1024xf32>
    %reduce_min3A_53 = vector.multi_reduction <minimumf>, %dot_general3A_49, %reduce_min3A_52 [0] : vector<1024x1024xf32> to vector<1024xf32>
    %get3A_54 = arith.constant 0 : index
    %get3A_55 = arith.constant 6144 : index
    %get3A_56 = vector.load %arg2[%get3A_54, %get3A_55] : memref<8x8192xbf16, #tpu.memory_space<vmem>>, vector<8x1024xbf16>
    %dot_general3A_57 = arith.constant dense<0.000000e+00> : vector<1024x1024xf32>
    %dot_general3A_58 = tpu.matmul %get3A_1, %get3A_56, %dot_general3A_57 {dimension_numbers = #tpu.dot_dimension_numbers<[1], [0], [0], [1], [0, 0, 1, 1], [], []>, transpose_lhs_hint = false} : vector<1024x8xbf16>, vector<8x1024xbf16>, vector<1024x1024xf32> -> vector<1024x1024xf32>
    %reduce_min3A_59 = arith.constant dense<0x7F800000> : vector<1024xf32>
    %reduce_min3A_60 = vector.multi_reduction <minimumf>, %dot_general3A_58, %reduce_min3A_59 [1] : vector<1024x1024xf32> to vector<1024xf32>
    %reduce_min3A_61 = arith.constant dense<0x7F800000> : vector<1024xf32>
    %reduce_min3A_62 = vector.multi_reduction <minimumf>, %dot_general3A_58, %reduce_min3A_61 [0] : vector<1024x1024xf32> to vector<1024xf32>
    %get3A_63 = arith.constant 0 : index
    %get3A_64 = arith.constant 7168 : index
    %get3A_65 = vector.load %arg2[%get3A_63, %get3A_64] : memref<8x8192xbf16, #tpu.memory_space<vmem>>, vector<8x1024xbf16>
    %dot_general3A_66 = arith.constant dense<0.000000e+00> : vector<1024x1024xf32>
    %dot_general3A_67 = tpu.matmul %get3A_1, %get3A_65, %dot_general3A_66 {dimension_numbers = #tpu.dot_dimension_numbers<[1], [0], [0], [1], [0, 0, 1, 1], [], []>, transpose_lhs_hint = false} : vector<1024x8xbf16>, vector<8x1024xbf16>, vector<1024x1024xf32> -> vector<1024x1024xf32>
    %reduce_min3A_68 = arith.constant dense<0x7F800000> : vector<1024xf32>
    %reduce_min3A_69 = vector.multi_reduction <minimumf>, %dot_general3A_67, %reduce_min3A_68 [1] : vector<1024x1024xf32> to vector<1024xf32>
    %reduce_min3A_70 = arith.constant dense<0x7F800000> : vector<1024xf32>
    %reduce_min3A_71 = vector.multi_reduction <minimumf>, %dot_general3A_67, %reduce_min3A_70 [0] : vector<1024x1024xf32> to vector<1024xf32>
    %min3A = arith.minimumf %reduce_min3A_6, %reduce_min3A_15 : vector<1024xf32>
    %min3A_72 = arith.minimumf %min3A, %reduce_min3A_24 : vector<1024xf32>
    %min3A_73 = arith.minimumf %min3A_72, %reduce_min3A_33 : vector<1024xf32>
    %min3A_74 = arith.minimumf %min3A_73, %reduce_min3A_42 : vector<1024xf32>
    %min3A_75 = arith.minimumf %min3A_74, %reduce_min3A_51 : vector<1024xf32>
    %min3A_76 = arith.minimumf %min3A_75, %reduce_min3A_60 : vector<1024xf32>
    %min3A_77 = arith.minimumf %min3A_76, %reduce_min3A_69 : vector<1024xf32>
    %max3A = arith.constant 0.000000e+00 : f32
    %max3A_78 = vector.broadcast %max3A : f32 to vector<1024xf32>
    %max3A_79 = arith.maximumf %min3A_77, %max3A_78 : vector<1024xf32>
    %sqrt3A = math.sqrt %max3A_79 : vector<1024xf32>
    %reduce_sum3A = vector.shape_cast %sqrt3A : vector<1024xf32> to vector<1x1024xf32>
    %reduce_sum3A_80 = arith.constant dense<0.000000e+00> : vector<1xf32>
    %reduce_sum3A_81 = vector.multi_reduction <add>, %reduce_sum3A, %reduce_sum3A_80 [1] : vector<1x1024xf32> to vector<1xf32>
    %reduce_sum3A_82 = vector.shape_cast %reduce_sum3A_81 : vector<1xf32> to vector<1x1xf32>
    %reduce_sum3A_83 = vector.extract %reduce_sum3A_82[0, 0] : f32 from vector<1x1xf32>
    %concatenate3A = tpu.concatenate %reduce_min3A_8, %reduce_min3A_17, %reduce_min3A_26, %reduce_min3A_35, %reduce_min3A_44, %reduce_min3A_53, %reduce_min3A_62, %reduce_min3A_71 in 0 : vector<1024xf32>, vector<1024xf32>, vector<1024xf32>, vector<1024xf32>, vector<1024xf32>, vector<1024xf32>, vector<1024xf32>, vector<1024xf32> -> vector<8192xf32>
    %broadcast_in_dim3A = vector.shape_cast %concatenate3A : vector<8192xf32> to vector<1x8192xf32>
    %eq3A = arith.constant 0 : i32
    %eq3A_84 = arith.cmpi eq, %arg0, %eq3A : i32
    %convert_element_type3A = arith.extui %eq3A_84 : i1 to i32
    %cond3A = arith.constant 0 : i32
    %cond3A_85 = arith.cmpi ne, %convert_element_type3A, %cond3A : i32
    scf.if %cond3A_85 {
      %swap3A = arith.constant 0 : index
      %swap3A_95 = arith.constant 0 : index
      %swap3A_96 = vector.load %arg5[%swap3A, %swap3A_95] : memref<1x8192xf32, #tpu.memory_space<vmem>>, vector<1x8192xf32>
      tpu.vector_store %arg5[%swap3A, %swap3A_95], %broadcast_in_dim3A {strides = array<i32>} : memref<1x8192xf32, #tpu.memory_space<vmem>>, vector<1x8192xf32>,
      %swap3A_97 = arith.constant 0 : index
      %swap3A_98 = arith.constant 0 : index
      %swap3A_99 = memref.load %arg3[%swap3A_97, %swap3A_98] : memref<1x1xf32, #tpu.memory_space<smem>>
      memref.store %reduce_sum3A_83, %arg3[%swap3A_97, %swap3A_98] : memref<1x1xf32, #tpu.memory_space<smem>>
    } else {
    }
    %gt3A = arith.constant 0 : i32
    %gt3A_86 = arith.cmpi sgt, %arg0, %gt3A : i32
    %convert_element_type3A_87 = arith.extui %gt3A_86 : i1 to i32
    %cond3A_88 = arith.constant 0 : i32
    %cond3A_89 = arith.cmpi ne, %convert_element_type3A_87, %cond3A_88 : i32
    scf.if %cond3A_89 {
      %get3A_95 = arith.constant 0 : index
      %get3A_96 = arith.constant 0 : index
      %get3A_97 = vector.load %arg5[%get3A_95, %get3A_96] : memref<1x8192xf32, #tpu.memory_space<vmem>>, vector<1x8192xf32>
      %min3A_98 = arith.minimumf %get3A_97, %broadcast_in_dim3A : vector<1x8192xf32>
      %swap3A = arith.constant 0 : index
      %swap3A_99 = arith.constant 0 : index
      %swap3A_100 = vector.load %arg5[%swap3A, %swap3A_99] : memref<1x8192xf32, #tpu.memory_space<vmem>>, vector<1x8192xf32>
      tpu.vector_store %arg5[%swap3A, %swap3A_99], %min3A_98 {strides = array<i32>} : memref<1x8192xf32, #tpu.memory_space<vmem>>, vector<1x8192xf32>,
      %get3A_101 = arith.constant 0 : index
      %get3A_102 = arith.constant 0 : index
      %get3A_103 = memref.load %arg3[%get3A_101, %get3A_102] : memref<1x1xf32, #tpu.memory_space<smem>>
      %add3A = arith.addf %get3A_103, %reduce_sum3A_83 : f32
      %swap3A_104 = arith.constant 0 : index
      %swap3A_105 = arith.constant 0 : index
      %swap3A_106 = memref.load %arg3[%swap3A_104, %swap3A_105] : memref<1x1xf32, #tpu.memory_space<smem>>
      memref.store %add3A, %arg3[%swap3A_104, %swap3A_105] : memref<1x1xf32, #tpu.memory_space<smem>>
    } else {
    }
    %eq3A_90 = arith.constant 6 : i32
    %eq3A_91 = arith.cmpi eq, %arg0, %eq3A_90 : i32
    %convert_element_type3A_92 = arith.extui %eq3A_91 : i1 to i32
    %cond3A_93 = arith.constant 0 : i32
    %cond3A_94 = arith.cmpi ne, %convert_element_type3A_92, %cond3A_93 : i32
    scf.if %cond3A_94 {
      %get3A_95 = arith.constant 0 : index
      %get3A_96 = arith.constant 0 : index
      %get3A_97 = vector.load %arg5[%get3A_95, %get3A_96] : memref<1x8192xf32, #tpu.memory_space<vmem>>, vector<1x8192xf32>
      %swap3A = arith.constant 0 : index
      %swap3A_98 = arith.constant 0 : index
      %swap3A_99 = vector.load %arg4[%swap3A, %swap3A_98] : memref<1x8192xf32, #tpu.memory_space<vmem>>, vector<1x8192xf32>
      tpu.vector_store %arg4[%swap3A, %swap3A_98], %get3A_97 {strides = array<i32>} : memref<1x8192xf32, #tpu.memory_space<vmem>>, vector<1x8192xf32>,
    } else {
    }
    return
  }
  func.func @transform_0(%arg0: i32) -> (i32, i32) {
    %c0_i32 = arith.constant 0 : i32
    %c0_i32_0 = arith.constant 0 : i32
    return %arg0, %c0_i32 : i32, i32
  }
  func.func @transform_1(%arg0: i32) -> (i32, i32) {
    %c0_i32 = arith.constant 0 : i32
    %c0_i32_0 = arith.constant 0 : i32
    %c0_i32_1 = arith.constant 0 : i32
    return %c0_i32, %c0_i32_0 : i32, i32
  }
  func.func @transform_2(%arg0: i32) -> (i32, i32) {
    %c0_i32 = arith.constant 0 : i32
    %c0_i32_0 = arith.constant 0 : i32
    %c0_i32_1 = arith.constant 0 : i32
    return %c0_i32, %c0_i32_0 : i32, i32
  }
  func.func @transform_3(%arg0: i32) -> (i32, i32) {
    %c0_i32 = arith.constant 0 : i32
    %c0_i32_0 = arith.constant 0 : i32
    %c0_i32_1 = arith.constant 0 : i32
    return %c0_i32, %c0_i32_0 : i32, i32
  }
}

module attributes {stable_mosaic.version = 14 : i64} {
  func.func @_merge_kernel(%arg0: memref<1x1xf32, #tpu.memory_space<smem>>, %arg1: memref<1x8192xf32, #tpu.memory_space<vmem>>, %arg2: memref<1024x16xf32, #tpu.memory_space<vmem>>, %arg3: memref<32x8192xf32, #tpu.memory_space<vmem>>, %arg4: memref<1x1xf32, #tpu.memory_space<smem>>) attributes {dimension_semantics = [], scalar_prefetch = 0 : i64, scratch_operands = 0 : i64, tpu.core_type = #tpu.core_type<tc>} {
    %get3A = arith.constant 0 : index
    %get3A_0 = arith.constant 0 : index
    %get3A_1 = vector.load %arg2[%get3A, %get3A_0] : memref<1024x16xf32, #tpu.memory_space<vmem>>, vector<1024x16xf32>
    %reduce_min3A = arith.constant dense<0x7F800000> : vector<1024xf32>
    %reduce_min3A_2 = vector.multi_reduction <minimumf>, %get3A_1, %reduce_min3A [1] : vector<1024x16xf32> to vector<1024xf32>
    %max3A = arith.constant 0.000000e+00 : f32
    %max3A_3 = vector.broadcast %max3A : f32 to vector<1024xf32>
    %max3A_4 = arith.maximumf %reduce_min3A_2, %max3A_3 : vector<1024xf32>
    %get3A_5 = arith.constant 0 : index
    %get3A_6 = arith.constant 0 : index
    %get3A_7 = memref.load %arg0[%get3A_5, %get3A_6] : memref<1x1xf32, #tpu.memory_space<smem>>
    %sqrt3A = math.sqrt %max3A_4 : vector<1024xf32>
    %reduce_sum3A = vector.shape_cast %sqrt3A : vector<1024xf32> to vector<1x1024xf32>
    %reduce_sum3A_8 = arith.constant dense<0.000000e+00> : vector<1xf32>
    %reduce_sum3A_9 = vector.multi_reduction <add>, %reduce_sum3A, %reduce_sum3A_8 [1] : vector<1x1024xf32> to vector<1xf32>
    %reduce_sum3A_10 = vector.shape_cast %reduce_sum3A_9 : vector<1xf32> to vector<1x1xf32>
    %reduce_sum3A_11 = vector.extract %reduce_sum3A_10[0, 0] : f32 from vector<1x1xf32>
    %add3A = arith.addf %get3A_7, %reduce_sum3A_11 : f32
    %get3A_12 = arith.constant 0 : index
    %get3A_13 = arith.constant 0 : index
    %get3A_14 = vector.load %arg1[%get3A_12, %get3A_13] : memref<1x8192xf32, #tpu.memory_space<vmem>>, vector<1x8192xf32>
    %get3A_15 = arith.constant 0 : index
    %get3A_16 = arith.constant 0 : index
    %get3A_17 = vector.load %arg3[%get3A_15, %get3A_16] : memref<32x8192xf32, #tpu.memory_space<vmem>>, vector<32x8192xf32>
    %reduce_min3A_18 = arith.constant dense<0x7F800000> : vector<8192xf32>
    %reduce_min3A_19 = vector.multi_reduction <minimumf>, %get3A_17, %reduce_min3A_18 [0] : vector<32x8192xf32> to vector<8192xf32>
    %broadcast_in_dim3A = vector.shape_cast %reduce_min3A_19 : vector<8192xf32> to vector<1x8192xf32>
    %min3A = arith.minimumf %get3A_14, %broadcast_in_dim3A : vector<1x8192xf32>
    %max3A_20 = arith.constant 0.000000e+00 : f32
    %max3A_21 = vector.broadcast %max3A_20 : f32 to vector<1x8192xf32>
    %max3A_22 = arith.maximumf %min3A, %max3A_21 : vector<1x8192xf32>
    %sqrt3A_23 = math.sqrt %max3A_22 : vector<1x8192xf32>
    %reduce_sum3A_24 = vector.shape_cast %sqrt3A_23 : vector<1x8192xf32> to vector<1x1x8192xf32>
    %reduce_sum3A_25 = arith.constant dense<0.000000e+00> : vector<1xf32>
    %reduce_sum3A_26 = vector.multi_reduction <add>, %reduce_sum3A_24, %reduce_sum3A_25 [1, 2] : vector<1x1x8192xf32> to vector<1xf32>
    %reduce_sum3A_27 = vector.shape_cast %reduce_sum3A_26 : vector<1xf32> to vector<1x1x1xf32>
    %reduce_sum3A_28 = vector.extract %reduce_sum3A_27[0, 0, 0] : f32 from vector<1x1x1xf32>
    %div3A = arith.constant 8.192000e+03 : f32
    %div3A_29 = arith.divf %add3A, %div3A : f32
    %div3A_30 = arith.constant 8.192000e+03 : f32
    %div3A_31 = arith.divf %reduce_sum3A_28, %div3A_30 : f32
    %add3A_32 = arith.addf %div3A_29, %div3A_31 : f32
    %mul3A = arith.constant 5.000000e+00 : f32
    %mul3A_33 = arith.mulf %add3A_32, %mul3A : f32
    %swap3A = arith.constant 0 : index
    %swap3A_34 = arith.constant 0 : index
    %swap3A_35 = memref.load %arg4[%swap3A, %swap3A_34] : memref<1x1xf32, #tpu.memory_space<smem>>
    memref.store %mul3A_33, %arg4[%swap3A, %swap3A_34] : memref<1x1xf32, #tpu.memory_space<smem>>
    return
  }
}

</mosaic_0001>

<sc_bundles>
// kernel: _chamfer.5.cloned.1.call-start
scs
__scs_entry_jumppad:
0x0: {  	(pc) =	sbr.rel $0x88, $3  }
0x1: {  	(tag) =	ssettag $0x0;
	lr =	simm.s32 $0x1  }
0x2: {  	[smem:$0x3F9F] =	sst lr;
	_ =	strace $0xD0000000  }
0x3: {  	_ = 	snop  }
0x4: {  	_ = 	snop  }
0x5: {  	_ = 	snop  }
0x6: {  	_ = 	snop  }
0x7: {  	_ = 	snop  }
__scs_overlays_trampoline_lowered:
0x8: {  	[smem:$0x3FAE] =	sst s0  }
0x9: {  	[smem:$0x3FAF] =	sst s1  }
0xa: {  	[smem:$0x3FB0] =	sst s2  }
0xb: {  	[smem:$0x3FB1] =	sst s3  }
0xc: {  	[smem:$0x3FB2] =	sst s4  }
0xd: {  	[smem:$0x3FB3] =	sst s5  }
0xe: {  	[smem:$0x3FB4] =	sst s6  }
0xf: {  	[smem:$0x3FB5] =	sst s7  }
0x10: {  	[smem:$0x3FB6] =	sst s8  }
0x11: {  	[smem:$0x3FB7] =	sst s9;
	s0 =	simm.s32 @!p0 $0x0  }
0x12: {  	s1 =	sld [smem:$0x3F9D];
	s0 =	simm.s32 @p0 $0x1  }
0x13: {  	[smem:$0x3FB8] =	sst s0;
	s0 =	simm.s32 @!p1 $0x0  }
0x14: {  	s2 =	sld [smem:$0x3F9C];
	s0 =	simm.s32 @p1 $0x1  }
0x15: {  	[smem:$0x3FB9] =	sst s0;
	s0 =	simm.s32 @!p2 $0x0  }
0x16: {  	s3 =	sld [smem:$0x3FDB];
	s0 =	simm.s32 @p2 $0x1  }
0x17: {  	s4 =	simm.s32 $0x1BF5;
	[smem:$0x3FBB] =	sst s0  }
0x18: {  	s0 =	sld [smem:$0x3F9E];
	_ =	swait.ge [sflag:s4], $0x0  }
0x19: {  	s7 =	sld [smem:$0x3F9F]  }
0x1a: {  	s8 =	sadd.s32 $0xFFFFE003, lr  }
0x1b: {  	s9 =	sadd.s32 $0xFFFFFEF7, lr;
	s5 =	simm.s32 $0xFFFFFFFF;
	p2 =	slt.u32 s8, $0xFFFFF086  }
0x1c: {  	p1 =	slt.u32 s9, $0xF7A;
	s5 =	simm.s32 @!p2 $0x0  }
0x1d: {  	s5 =	simm.s32 @p1 $0x1;
	p0 =	seq.s32 s7, s2  }
0x1e: {  	s7 =	smul.u32 @!p0 $0xF7A, s2;
	p2 =	seq.s32 @!p0 s5, $0x0  }
0x1f: {  	s9 =	smul.u32 $0xF7A, s1;
	s8 =	simm.s32 @!p0 $0x1BF5;
	p2 =	por !p2, p0  }
0x20: {  	[sflag:s8] =	ssyncset.s32 @!p0 $0xFFFFF086;
	s6 =	sadd.s32 @!p0 s3, s7;
	s7 =	simm.s32 @!p0 $0x108  }
0x21: {  	s3 =	sadd.s32 s3, s9;
	s6 =	sadd.s32 @!p0 $0x88, s6;
	s7 =	simm.s32 @p2 $0x1082  }
0x22: {  	[simem:s7], [sflag:s8] =	dma.local @!p0 [hbm:s6], $0xF7A  }
0x23: {  	s9 =	sor.u32 $0xD0000000, s2;
	s6 =	simm.s32 $0x108;
	_ =	swait.ge @!p0 [sflag:s8], $0x0  }
0x24: {  	s3 =	sadd.s32 $0x88, s3;
	s6 =	simm.s32 @!p1 $0x1082;
	[sflag:s4] =	ssyncset.s32 $0xFFFFF086  }
0x25: {  	[simem:s6], [sflag:s4] =	dma.local [hbm:s3], $0xF7A  }
0x26: {  	[smem:$0x3F9F] =	sst s1;
	(tag) =	ssettag s2;
	_ =	strace s9  }
0x27: {  	s1 =	sld [smem:$0x3FAF]  }
0x28: {  	s2 =	sld [smem:$0x3FB0]  }
0x29: {  	s4 =	sld [smem:$0x3FB2]  }
0x2a: {  	p0 =	seq.s32 s5, $0x0;
	s5 =	sld [smem:$0x3FB3]  }
0x2b: {  	s6 =	sld [smem:$0x3FB4]  }
0x2c: {  	s7 =	sld [smem:$0x3FB5]  }
0x2d: {  	s3 =	simm.s32 $0x108;
	s8 =	sld [smem:$0x3FB6]  }
0x2e: {  	s3 =	simm.s32 @!p0 $0x1082;
	s9 =	sld [smem:$0x3FB7]  }
0x2f: {  	lr =	sadd.s32 s0, s3;
	s0 =	sld [smem:$0x3FAE]  }
0x30: {  	s3 =	sld [smem:$0x3FB1]  }
0x31: {  	[smem:$0x3FBA] =	sst s10  }
0x32: {  	s10 =	sld [smem:$0x3FB8];
	_ =	sdelay $0x3  }
0x33: {  	p0 =	seq.s32 s10, $0x1;
	s10 =	sld [smem:$0x3FBA];
	_ =	sdelay $0x3  }
0x34: {  	[smem:$0x3FBA] =	sst s10  }
0x35: {  	s10 =	sld [smem:$0x3FB9];
	_ =	sdelay $0x3  }
0x36: {  	p1 =	seq.s32 s10, $0x1;
	s10 =	sld [smem:$0x3FBA];
	_ =	sdelay $0x3  }
0x37: {  	[smem:$0x3FBA] =	sst s10  }
0x38: {  	s10 =	sld [smem:$0x3FBB]  }
0x39: {  	_ = 	snop;
	(pc) =	sbr.ind lr, $3  }
0x3a: {  	_ = 	snop  }
0x3b: {  	_ = 	snop  }
0x3c: {  	p2 =	seq.s32 s10, $0x1;
	s10 =	sld [smem:$0x3FBA]  }
0x3d: {  	_ =	shalt  }
0x3e: {  	_ =	shalt  }
0x3f: {  	_ =	shalt  }
0x40: {  	_ =	shalt  }
0x41: {  	_ =	shalt  }
0x42: {  	_ =	shalt  }
0x43: {  	_ =	shalt  }
0x44: {  	_ =	shalt  }
0x45: {  	_ =	shalt  }
0x46: {  	_ =	shalt  }
0x47: {  	_ =	shalt  }
0x48: {  	_ =	shalt  }
0x49: {  	_ =	shalt  }
0x4a: {  	_ =	shalt  }
0x4b: {  	_ =	shalt  }
0x4c: {  	_ =	shalt  }
0x4d: {  	_ =	shalt  }
0x4e: {  	_ =	shalt  }
0x4f: {  	_ =	shalt  }
0x50: {  	_ =	shalt  }
0x51: {  	_ =	shalt  }
0x52: {  	_ =	shalt  }
0x53: {  	_ =	shalt  }
0x54: {  	_ =	shalt  }
0x55: {  	_ =	shalt  }
0x56: {  	_ =	shalt  }
0x57: {  	_ =	shalt  }
0x58: {  	_ =	shalt  }
0x59: {  	_ =	shalt  }
0x5a: {  	_ =	shalt  }
0x5b: {  	_ =	shalt  }
0x5c: {  	_ =	shalt  }
0x5d: {  	_ =	shalt  }
0x5e: {  	_ =	shalt  }
0x5f: {  	_ =	shalt  }
0x60: {  	_ =	shalt  }
0x61: {  	_ =	shalt  }
0x62: {  	_ =	shalt  }
0x63: {  	_ =	shalt  }
0x64: {  	_ =	shalt  }
0x65: {  	_ =	shalt  }
0x66: {  	_ =	shalt  }
0x67: {  	_ =	shalt  }
0x68: {  	_ =	shalt  }
0x69: {  	_ =	shalt  }
0x6a: {  	_ =	shalt  }
0x6b: {  	_ =	shalt  }
0x6c: {  	_ =	shalt  }
0x6d: {  	_ =	shalt  }
0x6e: {  	_ =	shalt  }
0x6f: {  	_ =	shalt  }
0x70: {  	_ =	shalt  }
0x71: {  	_ =	shalt  }
0x72: {  	_ =	shalt  }
0x73: {  	_ =	shalt  }
0x74: {  	_ =	shalt  }
0x75: {  	_ =	shalt  }
0x76: {  	_ =	shalt  }
0x77: {  	_ =	shalt  }
0x78: {  	_ =	shalt  }
0x79: {  	_ =	shalt  }
0x7a: {  	_ =	shalt  }
0x7b: {  	_ =	shalt  }
0x7c: {  	_ =	shalt  }
0x7d: {  	_ =	shalt  }
0x7e: {  	_ =	shalt  }
0x7f: {  	_ =	shalt  }
0x80: {  	_ =	shalt  }
0x81: {  	_ =	shalt  }
0x82: {  	_ =	shalt  }
0x83: {  	_ =	shalt  }
0x84: {  	_ =	shalt  }
0x85: {  	_ =	shalt  }
0x86: {  	_ =	shalt  }
0x87: {  	_ =	shalt  }
.Lfunc_end0:
.L_simem_size_0:
called_computation_lowered:
.L_overlay_start_0:
0x88: {  	s2 =	sld [smem:$0x3FD9]  }
0x89: {  	s3 =	sld [smem:$0x3FFE];
	_ =	sdelay $0x1  }
0x8a: {  	s1 =	srdreg.scid  }
0x8b: {  	s0 =	sand.u32 $0x1, s1  }
0x8c: {  	s16 =	sshll.u32 s0, $0xA;
	s2 =	sadd.s32 s3, s2  }
0x8d: {  	s2 =	sadd.s32 s2, s16  }
0x8e: {  	[smem:$0x3FC6] =	sst s2  }
0x8f: {  	_ = 	snop  }
0x90: {  	(tm) =	ssettm $0x1  }
0x91: {  	s17 =	sld [smem:$0x3FFB];
	_ =	sdelay $0x3  }
0x92: {  	_ =	strace s17  }
0x93: {  	s2 =	sld [smem:$0x3FFC];
	_ =	sdelay $0x3  }
0x94: {  	_ =	strace s2  }
0x95: {  	s2 =	sld [smem:$0x3FFD];
	_ =	sdelay $0x3  }
0x96: {  	_ =	strace s2  }
0x97: {  	_ =	strace $0x8FFFFFFF  }
0x98: {  	s18 =	sld [smem:$0x3FDB];
	_ =	sdelay $0x1  }
0x99: {  	s19 =	simm.s32 $_scs_section_size  }
0x9a: {  	s4 =	simm.s32 $_size__tile_overlayer_lowered;
	s5 =	simm.s32 $_tile_overlayer_lowered  }
0x9b: {  	s22 =	simm.s32 $0x1BFF;
	s21 =	sshll.u32 s5, $0x1;
	s2 =	sadd.s32 s19, s18  }
0x9c: {  	s6 =	simm.s32 $0x0;
	s20 =	sshll.u32 s4, $0x1;
	s4 =	sadd.s32 s21, s2  }
0x9d: {  	[timem:s6], [sflag:s22] =	dma.local [hbm:s4], s20  }
0x9e: {  	_ =	swait.ge [sflag:s22], s20  }
0x9f: {  	s3 =	ssub.s32 $0x0, s20;
	[sflag:s22] =	ssyncset.done $0x0  }
0xa0: {  	[sflag:s22] =	ssyncadd.s32 s3;
	_ =	sdelay $0x1  }
0xa1: {  	s23 =	simm.s32 $0x1B8B  }
0xa2: {  	_ =	swait.ge [sflag:s23], $0x1  }
0xa3: {  	[sflag:s23] =	ssyncset.done $0x0  }
0xa4: {  	s25 =	simm.s32 $0x1B8E;
	s24 =	sld [smem:$0x3FFE];
	[sflag:s23] =	ssyncadd.s32 $0xFFFFFFFF  }
0xa5: {  	s26 =	simm.s32 $execute0_lowered;
	[smem:$0x3FD2] =	sst s25  }
0xa6: {  	s4 =	sshll.u32 s26, $0x1;
	_ =	strace $0x80000046;
	[dreg:$0x1] =	wrdreg $0xFFFFFFFF  }
0xa7: {  	s28 =	simm.s32 $_size_execute0_lowered;
	s2 =	sadd.s32 s2, s4;
	[dreg:$0x0] =	wrdreg $0x0  }
0xa8: {  	s4 =	sshll.u32 s28, $0x1;
	[dreg:$0x2] =	wrdreg s2  }
0xa9: {  	[dreg:$0x3] =	wrdreg s4  }
0xaa: {  	[dreg:$0x4] =	wrdreg $0xC0  }
0xab: {  	_ =	task [dreg:s6], $0x5FFFF  }
0xac: {  	[dreg:$0x1] =	wrdreg $0xFFFFFFFF  }
0xad: {  	[dreg:$0x0] =	wrdreg $0x60  }
0xae: {  	[dreg:$0x2] =	wrdreg s24  }
0xaf: {  	[dreg:$0x3] =	wrdreg $0x9  }
0xb0: {  	_ =	task.clear_ibuf [dreg:s6], $0x4FFFF;
	_ =	strace $0x90000046  }
0xb1: {  	s29 =	simm.s32 $0x9;
	_ =	strace $0x80000048  }
0xb2: {  	_ =	swait.ge [sflag:s29], $0x1  }
0xb3: {  	[sflag:s29] =	ssyncadd.s32 $0xFFFFFFFF  }
0xb4: {  	_ =	strace $0x90000048  }
0xb5: {  	_ =	sfence  }
0xb6: {  	s30 =	sld [smem:$0x0];
	_ =	sdelay $0x2  }
0xb7: {  	s31 =	sshll.u32 s1, $0xD;
	s1 =	sshrl.u32 s1, $0x2  }
0xb8: {  	s3 =	sand.u32 $0x4000, s31;
	s1 =	sadd.s32 s1, s30  }
0xb9: {  	s0 =	sor.u32 s3, s0;
	s1 =	sshll.u32 s1, $0x11  }
0xba: {  	s0 =	sor.u32 s1, s0  }
0xbb: {  	s0 =	sadd.s32 $0x8F2B, s0  }
0xbc: {  	[sflag:s0] =	ssyncadd.remote.s32 $0x1  }
0xbd: {  	_ =	sfence.sel $0xFFFF  }
0xbe: {  	[dreg:$0x0] =	wrdreg $0xFFFFFFFF;
	(pc) =	sbr.abs _section_cstart, $3  }
0xbf: {  	[dreg:$0x1] =	wrdreg $0xFFFFFFFF  }
0xc0: {  	_ =	task.clear_ibuf [dreg:s6], $0x2FFFF;
	_ =	strace $0x9FFFFFFF  }
0xc1: {  	(tm) =	ssettm $0x7FFFFFFF  }
tec
execute0_lowered:
.L_overlay_start_1:
0x0: {  	(tag) =	ssettag $0x1  }
0x1: {  	s4 =	rddreg [dreg:$0x0];
	s2 =	simm.s32 $0x0  }
0x2: {  	s3 =	srdreg.scid;
	s0 =	stileid.u32;
	s12 =	simm.s32 $0x8000  }
0x3: {  	s13 =	simm.s32 $0x9000;
	s14 =	simm.s32 $0xA000;
	s15 =	simm.s32 $0xB000  }
0x4: {  	s16 =	simm.s32 $0xC000;
	s17 =	simm.s32 $0x80;
	s18 =	simm.s32 $0x400  }
0x5: {  	s19 =	simm.s32 $0xD000;
	s20 =	simm.s32 $0x0;
	[smem:$0x7FF] =	sst s2  }
0x6: {  	s5 =	sand.u32 $0x1, s3;
	s6 =	sshll.u32 s0, $0x1;
	s3 =	sadd.s32 $0xE00, s4  }
0x7: {  	s7 =	sshll.u32 s0, $0xB;
	_ =	strace $0x80000047;
	s6 =	sor.u32 s5, s6  }
0x8: {  	s7 =	sand.u32 $0x6000, s7;
	s5 =	ssub.s32 $0x2, s5;
	s8 =	sshll.u32 s6, $0x9  }
0x9: {  	s9 =	sadd.s32 s7, s4;
	s30 =	sshrl.u32 s5, $0x1;
	s31 =	sshll.u32 s6, $0x4  }
0xa: {  	s8 =	sadd.s32 s8, s4;
	s10 =	ssub.s32 s5, s30;
	s11 =	sand.u32 $0x70, s31  }
0xb: {  	s4 =	sadd.s32 $0x1E00, s8;
	s5 =	sadd.s32 $0x5E00, s8;
	s6 =	sadd.s32 $0x9E00, s8  }
0xc: {  	s7 =	sadd.s32 $0xDE00, s8;
	s8 =	sadd.s32 $0x19E00, s8;
	s9 =	sadd.s32 s11, s9  }
0xd: {  	v0 =	vimm.f32 $3.000000010e+38;
	s10 =	smax.u32 s10, $0x1;
	s11 =	simm.s32 $0x1;
	s9 =	sadd.s32 $0x11E00, s9  }
.LBB2_1:
0xe: {  	[tilespmem:s2], [sflag:$0x1] =	stream.linear.gather [hbm4b:s3+s2], $0x8000, $0x38;
	[tilespmem:$0xF000] =	vst v63  }
0xf: {  	_ =	swait.ge [sflag:s11], $0x8000  }
0x10: {  	[sflag:s11] =	ssyncset.done $0x0  }
0x11: {  	[sflag:s11] =	ssyncadd.s32 $0xFFFF8000  }
0x12: {  	[tilespmem:s12], [sflag:$0x1] =	stream.linear.gather [hbm4b:s4+s2], $0x1000, $0x38;
	[tilespmem:$0xF000] =	vst v63  }
0x13: {  	_ =	swait.ge [sflag:s11], $0x1000  }
0x14: {  	[sflag:s11] =	ssyncset.done $0x0  }
0x15: {  	[sflag:s11] =	ssyncadd.s32 $0xFFFFF000  }
0x16: {  	[tilespmem:s13], [sflag:$0x1] =	stream.linear.gather [hbm4b:s5+s2], $0x1000, $0x38;
	[tilespmem:$0xF000] =	vst v63  }
0x17: {  	_ =	swait.ge [sflag:s11], $0x1000  }
0x18: {  	[sflag:s11] =	ssyncset.done $0x0  }
0x19: {  	[sflag:s11] =	ssyncadd.s32 $0xFFFFF000  }
0x1a: {  	[tilespmem:s14], [sflag:$0x1] =	stream.linear.gather [hbm4b:s6+s2], $0x1000, $0x38;
	[tilespmem:$0xF000] =	vst v63  }
0x1b: {  	_ =	swait.ge [sflag:s11], $0x1000  }
0x1c: {  	[sflag:s11] =	ssyncset.done $0x0  }
0x1d: {  	[sflag:s11] =	ssyncadd.s32 $0xFFFFF000  }
0x1e: {  	[tilespmem:s15], [sflag:$0x1] =	stream.linear.gather [hbm4b:s7+s2], $0x1000, $0x38;
	[tilespmem:$0xF000] =	vst v63  }
0x1f: {  	_ =	swait.ge [sflag:s11], $0x1000  }
0x20: {  	[sflag:s11] =	ssyncset.done $0x0  }
0x21: {  	s21 =	simm.s32 $0x40;
	s22 =	simm.s32 $0x0;
	[sflag:s11] =	ssyncadd.s32 $0xFFFFF000  }
.LBB2_2:
0x22: {  	p0 =	sne.s32 s21, $0x7FC0;
	[tilespmem:s22+$0xD000] =	vst v0;
	s22 =	smov.u32 s21;
	s21 =	sadd.s32 $0x40, s21  }
.Ltmp0:
0x23: {  	(pc) =	sbr.rel @p0 .LBB2_2-.Ltmp0, $2  }
0x24: {  	_ =	sdelay $0x2  }
0x25: {  	s22 =	sshra.s32 s22, $0x2  }
0x26: {  	[tilespmem:s22+$0xD000] =	vst v0;
	s21 =	simm.s32 $0x0;
	s22 =	simm.s32 $0x0  }
.LBB2_4:
0x27: {  	s23 =	sshll.u32 s22, $0x9  }
0x28: {  	v13 =	vld [tilespmem:s23+$0x8000]  }
0x29: {  	v11 =	vld [tilespmem:s23+$0x9000]  }
0x2a: {  	v14 =	vld [tilespmem:s23+$0xA000]  }
0x2b: {  	v1 =	vld [tilespmem:s23+$0xB000]  }
0x2c: {  	v17 =	vld [tilespmem:s23+$0x8080]  }
0x2d: {  	v15 =	vld [tilespmem:s23+$0x9080]  }
0x2e: {  	v18 =	vld [tilespmem:s23+$0xA080]  }
0x2f: {  	v2 =	vld [tilespmem:s23+$0xB080]  }
0x30: {  	v12 =	vld [tilespmem:s23+$0x8100]  }
0x31: {  	v9 =	vld [tilespmem:s23+$0x9100]  }
0x32: {  	v19 =	vld [tilespmem:s23+$0xA100]  }
0x33: {  	v3 =	vld [tilespmem:s23+$0xB100]  }
0x34: {  	v16 =	vld [tilespmem:s23+$0x8180]  }
0x35: {  	v20 =	vld [tilespmem:s23+$0x9180]  }
0x36: {  	s28 =	sand.u32 $0x70, s21;
	s29 =	sand.u32 $0x7E00, s21;
	s30 =	simm.s32 $0x10;
	v10 =	vld [tilespmem:s23+$0xA180]  }
0x37: {  	v4 =	vimm.f32 $3.000000010e+38;
	s31 =	simm.s32 $0x0;
	s24 =	sor.u32 $0x80, s23;
	v6 =	vld [tilespmem:s23+$0xB180];
	s29 =	sor.u32 s28, s29  }
0x38: {  	v8 =	vimm.f32 $3.000000010e+38;
	v7 =	vimm.f32 $3.000000010e+38;
	v5 =	vimm.f32 $3.000000010e+38;
	s26 =	sor.u32 $0x100, s23;
	s25 =	sor.u32 $0x180, s23;
	s28 =	simm.s32 $0x0;
	v21 =	vld [tilespmem:s29+$0x0]  }
.LBB2_5:
0x39: {  	p0 =	sne.s32 s30, $0x1FF0  }
0x3a: {  	v22 =	vld [tilespmem:s29+$0x100];
	s31 =	sadd.s32 $0x40, s31;
	s0 =	smov.u32 s30;
	s30 =	sadd.s32 $0x10, s30  }
0x3b: {  	v23 =	vld [tilespmem:s29+$0x80]  }
0x3c: {  	s0 =	sand.u32 $0x70, s0;
	s1 =	sand.u32 $0x7E00, s31;
	v24 =	vld [tilespmem:s29+$0x180]  }
0x3d: {  	s29 =	sor.u32 s0, s1  }
0x3e: {  	v25 =	vmul.f32 v21, v13;
	v26 =	vmul.f32 v21, v17  }
0x3f: {  	v27 =	vmul.f32 v22, v14;
	v28 =	vmul.f32 v22, v18  }
0x40: {  	v29 =	vmul.f32 v23, v11;
	v30 =	vmul.f32 v23, v15  }
0x41: {  	v31 =	vmul.f32 v22, v19;
	v32 =	vmul.f32 v23, v20;
	v27 =	vadd.f32 v24, v27  }
0x42: {  	v25 =	vadd.f32 v29, v25;
	v29 =	vmul.f32 v21, v12;
	v21 =	vmul.f32 v21, v16  }
0x43: {  	s0 =	sshra.s32 s28, $0x2;
	s28 =	smov.u32 s31;
	v23 =	vmul.f32 v23, v9;
	v28 =	vadd.f32 v24, v28;
	v31 =	vadd.f32 v24, v31  }
0x44: {  	v22 =	vmul.f32 v22, v10;
	v26 =	vadd.f32 v30, v26;
	v33 =	vld [tilespmem:s0+$0xD000];
	v25 =	vadd.f32 v27, v25  }
0x45: {  	v23 =	vadd.f32 v23, v29;
	v21 =	vadd.f32 v32, v21  }
0x46: {  	v22 =	vadd.f32 v24, v22;
	v26 =	vadd.f32 v28, v26  }
0x47: {  	v24 =	vadd.f32 v25, v1;
	v23 =	vadd.f32 v31, v23  }
0x48: {  	v25 =	vadd.f32 v26, v2;
	v21 =	vadd.f32 v22, v21  }
0x49: {  	v4 =	vmin.f32 v4, v24;
	v23 =	vadd.f32 v23, v3;
	v22 =	vmin.f32 v33, v24  }
.Ltmp1:
0x4a: {  	v8 =	vmin.f32 v8, v25;
	v21 =	vadd.f32 v21, v6;
	v22 =	vmin.f32 v22, v25;
	(pc) =	sbr.rel @p0 .LBB2_5-.Ltmp1, $4  }
0x4b: {  	v7 =	vmin.f32 v7, v23;
	v22 =	vmin.f32 v22, v23  }
0x4c: {  	v5 =	vmin.f32 v5, v21;
	v21 =	vmin.f32 v22, v21  }
0x4d: {  	[tilespmem:s0+$0xD000] =	vst v21  }
0x4e: {  	v21 =	vld [tilespmem:s29+$0x0]  }
0x4f: {  	_ = 	snop  }
0x50: {  	v22 =	vld [tilespmem:s29+$0x100]  }
0x51: {  	v23 =	vld [tilespmem:s29+$0x80];
	_ =	sdelay $0x1  }
0x52: {  	v24 =	vld [tilespmem:s29+$0x180];
	v13 =	vmul.f32 v21, v13  }
0x53: {  	v17 =	vmul.f32 v21, v17;
	v12 =	vmul.f32 v21, v12  }
0x54: {  	v56 =	vmul.f32 v21, v16;
	v14 =	vmul.f32 v22, v14  }
0x55: {  	v18 =	vmul.f32 v22, v18;
	v11 =	vmul.f32 v23, v11  }
0x56: {  	v15 =	vmul.f32 v23, v15;
	v19 =	vmul.f32 v22, v19  }
0x57: {  	v9 =	vmul.f32 v23, v9;
	v14 =	vadd.f32 v24, v14;
	v11 =	vadd.f32 v11, v13  }
0x58: {  	s0 =	sshra.s32 s28, $0x2;
	v20 =	vmul.f32 v23, v20;
	v57 =	vadd.f32 v24, v18;
	v58 =	vadd.f32 v24, v19  }
0x59: {  	v59 =	vld [tilespmem:s0+$0xD000];
	v10 =	vmul.f32 v22, v10;
	v60 =	vadd.f32 v15, v17;
	v9 =	vadd.f32 v9, v12  }
0x5a: {  	v61 =	vadd.f32 v20, v56;
	v11 =	vadd.f32 v14, v11  }
0x5b: {  	v10 =	vadd.f32 v24, v10;
	v62 =	vadd.f32 v57, v60  }
0x5c: {  	v9 =	vadd.f32 v58, v9;
	v1 =	vadd.f32 v11, v1  }
0x5d: {  	v10 =	vadd.f32 v10, v61;
	v2 =	vadd.f32 v62, v2  }
0x5e: {  	v3 =	vadd.f32 v9, v3;
	v11 =	vmin.f32 v59, v1  }
0x5f: {  	v6 =	vadd.f32 v10, v6;
	v63 =	vmin.f32 v11, v2  }
0x60: {  	s22 =	sadd.s32 $0x1, s22;
	v9 =	vmin.f32 v63, v3  }
0x61: {  	p0 =	sne.s32 s22, $0x8;
	v9 =	vmin.f32 v9, v6  }
.Ltmp2:
0x62: {  	v1 =	vmin.f32 v4, v1;
	[tilespmem:s0+$0xD000] =	vst v9;
	(pc) =	sbr.rel @p0 .LBB2_4-.Ltmp2, $4  }
0x63: {  	v2 =	vmin.f32 v8, v2;
	[tilespmem:s23+$0xC000] =	vst v1  }
0x64: {  	v1 =	vmin.f32 v7, v3;
	[tilespmem:s24+$0xC000] =	vst v2  }
0x65: {  	v2 =	vmin.f32 v5, v6;
	[tilespmem:s26+$0xC000] =	vst v1  }
0x66: {  	[tilespmem:s25+$0xC000] =	vst v2  }
0x67: {  	[hbm4b:s8+s2] =	stream.linear.scatter [tilespmem:s16], [sflag:$0x1], $0x1000, $0x38;
	[tilespmem:$0xF000] =	vst v63  }
0x68: {  	s20 =	sadd.s32 $0x1, s20;
	_ =	swait.ge [sflag:s11], $0x1000  }
0x69: {  	p0 =	sne.s32 s20, s10;
	[sflag:s11] =	ssyncset.done $0x0  }
.Ltmp3:
0x6a: {  	[sflag:s11] =	ssyncadd.s32 $0xFFFFF000;
	(pc) =	sbr.rel @p0 .LBB2_1-.Ltmp3, $4  }
0x6b: {  	[hbm4b:s9+s17] =	stream.strided.scatter [tilespmem:s19], [sflag:$0x1], $0x2000, s18, s17, $0x38;
	[tilespmem:$0xF000] =	vst v63  }
0x6c: {  	_ =	swait.ge [sflag:s11], $0x2000  }
0x6d: {  	[sflag:s11] =	ssyncset.done $0x0  }
0x6e: {  	[sflag:s11] =	ssyncadd.s32 $0xFFFFE000  }
0x6f: {  	_ =	sfence.sel $0x180000  }
0x70: {  	[bflag:$0x0] =	sbarrier.arrive $0xFFFF  }
0x71: {  	_ =	strace $0x90000047  }
0x72: {  	s0 =	stileid.u32;
	[bflag:$0x2] =	sbarrier.arrive $0xFFFF  }
0x73: {  	p0 =	sne.s32 s0, $0x0;
	s0 =	rddreg [dreg:$0x1]  }
0x74: {  	s0 =	sadd.s32 @!p0 $0x100000, s0  }
0x75: {  	[sflag:s0] =	ssyncadd.tile.s32 @!p0 $0x1;
	_ =	shalt  }
.Lfunc_end2:
_tile_overlayer_lowered:
.L_overlay_start_2:
0x76: {  	(tag) =	ssettag $0x2  }
0x77: {  	s0 =	rddreg [dreg:$0x0];
	s2 =	stileid.u32  }
0x78: {  	s1 =	rddreg [dreg:$0x1];
	p0 =	sne.s32 s2, $0x0  }
0x79: {  	s3 =	rddreg [dreg:$0x2];
	[bflag:$0x3] =	sbarrier.arrive $0xFFFF;
	s2 =	simm.s32 @!p0 $0x1C01  }
0x7a: {  	[timem:s3], [sflag:s2] =	dma.local @!p0 [hbm:s0], s1  }
0x7b: {  	s0 =	simm.s32 @!p0 $0x1  }
0x7c: {  	_ =	swait.ge @!p0 [sflag:s0], s1  }
0x7d: {  	s1 =	ssub.s32 @!p0 $0x0, s1;
	[sflag:s0] =	ssyncset.done @!p0 $0x0  }
0x7e: {  	[sflag:s0] =	ssyncadd.s32 @!p0 s1  }
0x7f: {  	[bflag:$0x3] =	sbarrier.arrive $0xFFFF  }
0x80: {  	_ =	shalt  }

</sc_bundles>
